<compile_context>
chip_gen: v7x
topology: tpu7x:2x2x1
jax: 0.10.2.dev20260603
libtpu: 0.0.44.dev20260713+nightly
codegen_flags: <defaults>
</compile_context>

<pallas_src>
import functools

import jax
import jax.numpy as jnp
from jax import lax
from jax.experimental import pallas as pl
from jax.experimental.pallas import tpu as pltpu
from jax.experimental.pallas import tpu_sc as plsc

_B, _T, _D, _K = 16, 1024, 64, 8192
_M = _B * _T
_MB = 512
_KH = _K // 2


def _round_f32_to_bf16(v):
    u = lax.bitcast_convert_type(v, jnp.uint32)
    r = (u + jnp.uint32(0x7FFF) + ((u >> jnp.uint32(16)) & jnp.uint32(1)))
    r = r & jnp.uint32(0xFFFF0000)
    return lax.bitcast_convert_type(r, jnp.float32)


_LW = 128
_NS = _KH // _LW


def _half_argmin(xx, p2, ee, half, lane_iota):
    base = half * _KH
    m_run = (xx - p2[:, base:base + _LW]) + ee[:, base:base + _LW]
    j_run = jnp.zeros_like(m_run)
    for j in range(1, _NS):
        a = base + j * _LW
        tj = (xx - p2[:, a:a + _LW]) + ee[:, a:a + _LW]
        pick = tj < m_run
        m_run = jnp.where(pick, tj, m_run)
        j_run = jnp.where(pick, jnp.float32(j), j_run)
    m = jnp.min(m_run, axis=1, keepdims=True)
    gidx = j_run * jnp.float32(_LW) + lane_iota
    cand = jnp.where(m_run == m, gidx, jnp.float32(_K))
    idx = (jnp.min(cand, axis=1, keepdims=True).astype(jnp.int32)
           + jnp.int32(half * _KH))
    return m, idx


def _dist_argmin_body(x_ref, x16_ref, e16_ref, ee_ref, iota_ref, idx_ref):
    xb = x_ref[...]
    p2 = lax.dot_general(x16_ref[...], e16_ref[...], (((1,), (0,)), ((), ())),
                         preferred_element_type=jnp.float32)
    xx = jnp.sum(xb * xb, axis=1, keepdims=True)
    ee = ee_ref[...]
    lane_iota = iota_ref[...]
    m0, idx0 = _half_argmin(xx, p2, ee, 0, lane_iota)
    m1, idx1 = _half_argmin(xx, p2, ee, 1, lane_iota)
    pick1 = m1 < _round_f32_to_bf16(m0)
    idx_ref[...] = jnp.where(pick1, idx1, idx0)


def _argmin_indices(flat, x16, e16, ee, iota_f):
    grid = _M // _MB
    out = pl.pallas_call(
        _dist_argmin_body,
        grid=(grid,),
        in_specs=[
            pl.BlockSpec((_MB, _D), lambda i: (i, 0)),
            pl.BlockSpec((_MB, _D), lambda i: (i, 0)),
            pl.BlockSpec((_D, _K), lambda i: (0, 0)),
            pl.BlockSpec((1, _K), lambda i: (0, 0)),
            pl.BlockSpec((1, _LW), lambda i: (0, 0)),
        ],
        out_specs=pl.BlockSpec((_MB, 1), lambda i: (i, 0)),
        out_shape=jax.ShapeDtypeStruct((_M, 1), jnp.int32),
    )(flat, x16, e16, ee, iota_f)
    return out.reshape(_M)


_DP = 128


@functools.lru_cache(maxsize=1)
def _make_sc_gather():
    info = plsc.get_sparse_core_info()
    nc, ns = info.num_cores, info.num_subcores
    nw = nc * ns
    bpw = _M // nw
    mesh = plsc.VectorSubcoreMesh(core_axis_name="c", subcore_axis_name="s")

    @functools.partial(
        pl.kernel,
        mesh=mesh,
        out_type=jax.ShapeDtypeStruct((_M, _DP), jnp.float32),
        scratch_types=[
            pltpu.VMEM((bpw,), jnp.int32),
            pltpu.VMEM((bpw, _DP), jnp.float32),
            pltpu.SemaphoreType.DMA,
        ],
    )
    def gather_rows(table_hbm, idx_hbm, out_hbm, idx_v, rows_v, sem):
        wid = lax.axis_index("s") * nc + lax.axis_index("c")
        base = wid * bpw
        pltpu.sync_copy(idx_hbm.at[pl.ds(base, bpw)], idx_v)
        pltpu.async_copy(table_hbm.at[idx_v], rows_v, sem).wait()
        pltpu.sync_copy(rows_v, out_hbm.at[pl.ds(base, bpw)])

    return gather_rows


def kernel(x, embed):
    flat = x.reshape(_M, _D)
    embed_t = embed.T
    x16 = flat.astype(jnp.bfloat16)
    e16 = (2.0 * embed_t).astype(jnp.bfloat16)
    ee = jnp.sum(embed_t * embed_t, axis=0, keepdims=True)
    iota_f = lax.broadcasted_iota(jnp.float32, (1, _LW), 1)
    idx = _argmin_indices(flat, x16, e16, ee, iota_f)
    embed_p = jnp.pad(embed, ((0, 0), (0, _DP - _D)))
    quantize = _make_sc_gather()(embed_p, idx)[:, :_D]
    return quantize.reshape(_B, _T, _D), idx.reshape(_B, _T)

# --- scband reference (transcript-rebuilt; emitter-appended) ---
"""Pipeline reference for scband-euclidean-codebook-79018808312070 (READ-ONLY COPY).

The authoritative reference and input builder live on the scoring server;
editing this copy changes nothing except your own understanding.
"""

import jax, jax.numpy as jnp
import numpy as np

B, T, D, K = 16, 1024, 64, 8192

def setup_inputs(seed: int = 0) -> dict:
    key = jax.random.key(seed)
    k1, k2 = jax.random.split(key)
    x = jax.random.normal(k1, (B, T, D), dtype=jnp.float32)
    # kaiming-uniform-like init for the codebook (fan_in = D, a=sqrt(5) -> bound = sqrt(6/((1+5)*D)) = 1/sqrt(D))
    bound = 1.0 / np.sqrt(D)
    embed = jax.random.uniform(k2, (K, D), minval=-bound, maxval=bound, dtype=jnp.float32)
    return {"x": x, "embed": embed}

def reference(x, embed):
    # EuclideanCodebook.forward (eval mode, c=0, ema buffers not updated):
    # preprocess: flatten leading dims
    shape = x.shape
    flat = x.reshape(-1, shape[-1])
    # quantize: negative squared euclidean distance via expansion
    embed_t = embed.T
    dist = -(jnp.sum(flat * flat, axis=1, keepdims=True)
             - 2.0 * (flat @ embed_t)
             + jnp.sum(embed_t * embed_t, axis=0, keepdims=True))
    embed_ind_flat = jnp.argmax(dist, axis=-1)
    # postprocess_emb: reshape indices to input leading shape
    embed_ind = embed_ind_flat.reshape(shape[:-1])
    # dequantize: embedding lookup
    quantize = jnp.take(embed, embed_ind, axis=0)
    return quantize, embed_ind

if __name__ == "__main__":
    import jax
    _d = setup_inputs()
    print(jax.jit(kernel)(*tuple(_d.values())))

</pallas_src>

<mosaic_0001>
#map = affine_map<(d0, d1) -> (0, 0)>
#map1 = affine_map<(d0, d1) -> (0)>
module attributes {stable_mosaic.version = 14 : i64} {
  func.func @gather_rows(%arg0: i32, %arg1: i32, %arg2: memref<8192x128xf32, #tpu.memory_space<hbm>>, %arg3: memref<16384xi32, #tpu.memory_space<hbm>>, %arg4: memref<16384x128xf32, #tpu.memory_space<hbm>>, %arg5: memref<512xi32, #tpu.memory_space<vmem>>, %arg6: memref<512x128xf32, #tpu.memory_space<vmem>>, %arg7: memref<!tpu.dma_semaphore, #tpu.memory_space<semaphore_mem>>) attributes {dimension_semantics = [#tpu.dimension_semantics<core_parallel>, #tpu.dimension_semantics<subcore_parallel>], iteration_bounds = array<i64: 2, 16>, scalar_prefetch = 0 : i64, scratch_operands = 3 : i64, tpu.core_type = #tpu.core_type<sc_vector_subcore>, window_params = [{transform_indices = #map}, {transform_indices = #map1}, {transform_indices = #map}]} {
    %mul3A = arith.constant 2 : i32
    %mul3A_0 = arith.muli %arg1, %mul3A : i32
    %add3A = arith.addi %mul3A_0, %arg0 : i32
    %mul3A_1 = arith.constant 512 : i32
    %mul3A_2 = arith.muli %add3A, %mul3A_1 : i32
    "tpu.region"() ({
      %run_scoped3A = tpu.sem_alloc : memref<!tpu.dma_semaphore, #tpu.memory_space<semaphore_mem>>
      %dma_start3A_7 = tpu.memref_slice %arg3[%mul3A_2] : memref<16384xi32, #tpu.memory_space<hbm>> -> memref<512xi32, #tpu.memory_space<hbm>>
      %dma_start3A_8 = tpu.memref_slice %arg3[%mul3A_2] : memref<16384xi32, #tpu.memory_space<hbm>> -> memref<512xi32, #tpu.memory_space<hbm>>
      tpu.enqueue_dma source(%dma_start3A_8 : memref<512xi32, #tpu.memory_space<hbm>>) target(%arg5 : memref<512xi32, #tpu.memory_space<vmem>>) target_semaphore(%run_scoped3A : memref<!tpu.dma_semaphore, #tpu.memory_space<semaphore_mem>>)
      %dma_wait3A_9 = tpu.memref_slice %arg3[%mul3A_2] : memref<16384xi32, #tpu.memory_space<hbm>> -> memref<512xi32, #tpu.memory_space<hbm>>
      %dma_wait3A_10 = tpu.memref_slice %arg3[%mul3A_2] : memref<16384xi32, #tpu.memory_space<hbm>> -> memref<512xi32, #tpu.memory_space<hbm>>
      tpu.wait_dma2 semaphore(%run_scoped3A : memref<!tpu.dma_semaphore, #tpu.memory_space<semaphore_mem>>) src(%dma_wait3A_10 : memref<512xi32, #tpu.memory_space<hbm>>) dst(%arg5 : memref<512xi32, #tpu.memory_space<vmem>>)
      tpu.yield
    }) : () -> ()
    %dma_start3A = arith.constant 0 : i32
    %dma_start3A_3 = arith.constant 0 : i32
    %dma_start3A_4 = tpu.memref_slice %arg2[%dma_start3A, %dma_start3A_3] : memref<8192x128xf32, #tpu.memory_space<hbm>> -> memref<8192x128xf32, #tpu.memory_space<hbm>>
    tpu.enqueue_indirect_dma source(%dma_start3A_4 : memref<8192x128xf32, #tpu.memory_space<hbm>>) target(%arg6 : memref<512x128xf32, #tpu.memory_space<vmem>>) offsets(%arg5 : memref<512xi32, #tpu.memory_space<vmem>>) semaphore(%arg7 : memref<!tpu.dma_semaphore, #tpu.memory_space<semaphore_mem>>)
    %dma_wait3A = arith.constant 0 : i32
    %dma_wait3A_5 = arith.constant 0 : i32
    %dma_wait3A_6 = tpu.memref_slice %arg2[%dma_wait3A, %dma_wait3A_5] : memref<8192x128xf32, #tpu.memory_space<hbm>> -> memref<8192x128xf32, #tpu.memory_space<hbm>>
    tpu.wait_indirect_dma semaphore(%arg7 : memref<!tpu.dma_semaphore, #tpu.memory_space<semaphore_mem>>) src(%dma_wait3A_6 : memref<8192x128xf32, #tpu.memory_space<hbm>>) dst(%arg6 : memref<512x128xf32, #tpu.memory_space<vmem>>)
    "tpu.region"() ({
      %run_scoped3A = tpu.sem_alloc : memref<!tpu.dma_semaphore, #tpu.memory_space<semaphore_mem>>
      %dma_start3A_7 = arith.constant 0 : i32
      %dma_start3A_8 = tpu.memref_slice %arg4[%mul3A_2, %dma_start3A_7] : memref<16384x128xf32, #tpu.memory_space<hbm>> -> memref<512x128xf32, #tpu.memory_space<hbm>>
      %dma_start3A_9 = arith.constant 0 : i32
      %dma_start3A_10 = tpu.memref_slice %arg4[%mul3A_2, %dma_start3A_9] : memref<16384x128xf32, #tpu.memory_space<hbm>> -> memref<512x128xf32, #tpu.memory_space<hbm>>
      tpu.enqueue_dma source(%arg6 : memref<512x128xf32, #tpu.memory_space<vmem>>) target(%dma_start3A_10 : memref<512x128xf32, #tpu.memory_space<hbm>>) target_semaphore(%run_scoped3A : memref<!tpu.dma_semaphore, #tpu.memory_space<semaphore_mem>>)
      %dma_wait3A_11 = arith.constant 0 : i32
      %dma_wait3A_12 = tpu.memref_slice %arg4[%mul3A_2, %dma_wait3A_11] : memref<16384x128xf32, #tpu.memory_space<hbm>> -> memref<512x128xf32, #tpu.memory_space<hbm>>
      %dma_wait3A_13 = arith.constant 0 : i32
      %dma_wait3A_14 = tpu.memref_slice %arg4[%mul3A_2, %dma_wait3A_13] : memref<16384x128xf32, #tpu.memory_space<hbm>> -> memref<512x128xf32, #tpu.memory_space<hbm>>
      tpu.wait_dma2 semaphore(%run_scoped3A : memref<!tpu.dma_semaphore, #tpu.memory_space<semaphore_mem>>) src(%arg6 : memref<512x128xf32, #tpu.memory_space<vmem>>) dst(%dma_wait3A_14 : memref<512x128xf32, #tpu.memory_space<hbm>>)
      tpu.yield
    }) : () -> ()
    return
  }
}

module attributes {stable_mosaic.version = 14 : i64} {
  func.func @_dist_argmin_body(%arg0: i32, %arg1: memref<512x64xf32, #tpu.memory_space<vmem>>, %arg2: memref<512x64xbf16, #tpu.memory_space<vmem>>, %arg3: memref<64x8192xbf16, #tpu.memory_space<vmem>>, %arg4: memref<1x8192xf32, #tpu.memory_space<vmem>>, %arg5: memref<1x128xf32, #tpu.memory_space<vmem>>, %arg6: memref<512x1xi32, #tpu.memory_space<vmem>>) attributes {dimension_semantics = [#tpu.dimension_semantics<arbitrary>], iteration_bounds = array<i64: 32>, scalar_prefetch = 0 : i64, scratch_operands = 0 : i64, tpu.core_type = #tpu.core_type<tc>, window_params = [{transform_indices = @transform_0, window_bounds = array<i64: 512, 64>}, {transform_indices = @transform_1, window_bounds = array<i64: 512, 64>}, {pipeline_mode = #tpu.pipeline_mode<synchronous>, transform_indices = @transform_2, window_bounds = array<i64: 64, 8192>}, {pipeline_mode = #tpu.pipeline_mode<synchronous>, transform_indices = @transform_3, window_bounds = array<i64: 1, 8192>}, {pipeline_mode = #tpu.pipeline_mode<synchronous>, transform_indices = @transform_4, window_bounds = array<i64: 1, 128>}, {transform_indices = @transform_5, window_bounds = array<i64: 512, 1>}]} {
    %get3A = arith.constant 0 : index
    %get3A_0 = arith.constant 0 : index
    %get3A_1 = vector.load %arg1[%get3A, %get3A_0] : memref<512x64xf32, #tpu.memory_space<vmem>>, vector<512x64xf32>
    %get3A_2 = arith.constant 0 : index
    %get3A_3 = arith.constant 0 : index
    %get3A_4 = vector.load %arg2[%get3A_2, %get3A_3] : memref<512x64xbf16, #tpu.memory_space<vmem>>, vector<512x64xbf16>
    %get3A_5 = arith.constant 0 : index
    %get3A_6 = arith.constant 0 : index
    %get3A_7 = vector.load %arg3[%get3A_5, %get3A_6] : memref<64x8192xbf16, #tpu.memory_space<vmem>>, vector<64x8192xbf16>
    %dot_general3A = arith.constant dense<0.000000e+00> : vector<512x8192xf32>
    %dot_general3A_8 = tpu.matmul %get3A_4, %get3A_7, %dot_general3A {dimension_numbers = #tpu.dot_dimension_numbers<[1], [0], [0], [1], [0, 0, 1, 1], [], []>, transpose_lhs_hint = false} : vector<512x64xbf16>, vector<64x8192xbf16>, vector<512x8192xf32> -> vector<512x8192xf32>
    %mul3A = arith.mulf %get3A_1, %get3A_1 : vector<512x64xf32>
    %reduce_sum3A = arith.constant dense<0.000000e+00> : vector<512xf32>
    %reduce_sum3A_9 = vector.multi_reduction <add>, %mul3A, %reduce_sum3A [1] : vector<512x64xf32> to vector<512xf32>
    %broadcast_in_dim3A = vector.shape_cast %reduce_sum3A_9 : vector<512xf32> to vector<512x1xf32>
    %get3A_10 = arith.constant 0 : index
    %get3A_11 = arith.constant 0 : index
    %get3A_12 = vector.load %arg4[%get3A_10, %get3A_11] : memref<1x8192xf32, #tpu.memory_space<vmem>>, vector<1x8192xf32>
    %get3A_13 = arith.constant 0 : index
    %get3A_14 = arith.constant 0 : index
    %get3A_15 = vector.load %arg5[%get3A_13, %get3A_14] : memref<1x128xf32, #tpu.memory_space<vmem>>, vector<1x128xf32>
    %slice3A = vector.extract_strided_slice %dot_general3A_8 {offsets = [0, 0], sizes = [512, 128], strides = [1, 1]} : vector<512x8192xf32> to vector<512x128xf32>
    %sub3A = vector.broadcast %broadcast_in_dim3A : vector<512x1xf32> to vector<512x128xf32>
    %sub3A_16 = arith.subf %sub3A, %slice3A : vector<512x128xf32>
    %slice3A_17 = vector.extract_strided_slice %get3A_12 {offsets = [0, 0], sizes = [1, 128], strides = [1, 1]} : vector<1x8192xf32> to vector<1x128xf32>
    %add3A = vector.broadcast %slice3A_17 : vector<1x128xf32> to vector<512x128xf32>
    %add3A_18 = arith.addf %sub3A_16, %add3A : vector<512x128xf32>
    %broadcast_in_dim3A_19 = arith.constant 0.000000e+00 : f32
    %broadcast_in_dim3A_20 = vector.broadcast %broadcast_in_dim3A_19 : f32 to vector<512x128xf32>
    %slice3A_21 = vector.extract_strided_slice %dot_general3A_8 {offsets = [0, 128], sizes = [512, 128], strides = [1, 1]} : vector<512x8192xf32> to vector<512x128xf32>
    %sub3A_22 = vector.broadcast %broadcast_in_dim3A : vector<512x1xf32> to vector<512x128xf32>
    %sub3A_23 = arith.subf %sub3A_22, %slice3A_21 : vector<512x128xf32>
    %slice3A_24 = vector.extract_strided_slice %get3A_12 {offsets = [0, 128], sizes = [1, 128], strides = [1, 1]} : vector<1x8192xf32> to vector<1x128xf32>
    %add3A_25 = vector.broadcast %slice3A_24 : vector<1x128xf32> to vector<512x128xf32>
    %add3A_26 = arith.addf %sub3A_23, %add3A_25 : vector<512x128xf32>
    %lt3A = arith.cmpf olt, %add3A_26, %add3A_18 : vector<512x128xf32>
    %select_n3A = arith.select %lt3A, %add3A_26, %add3A_18 : vector<512x128xi1>, vector<512x128xf32>
    %jit3A = arith.constant 1.000000e+00 : f32
    %broadcast_in_dim3A_27 = vector.broadcast %jit3A : f32 to vector<512x128xf32>
    %select_n3A_28 = arith.select %lt3A, %broadcast_in_dim3A_27, %broadcast_in_dim3A_20 : vector<512x128xi1>, vector<512x128xf32>
    %slice3A_29 = vector.extract_strided_slice %dot_general3A_8 {offsets = [0, 256], sizes = [512, 128], strides = [1, 1]} : vector<512x8192xf32> to vector<512x128xf32>
    %sub3A_30 = vector.broadcast %broadcast_in_dim3A : vector<512x1xf32> to vector<512x128xf32>
    %sub3A_31 = arith.subf %sub3A_30, %slice3A_29 : vector<512x128xf32>
    %slice3A_32 = vector.extract_strided_slice %get3A_12 {offsets = [0, 256], sizes = [1, 128], strides = [1, 1]} : vector<1x8192xf32> to vector<1x128xf32>
    %add3A_33 = vector.broadcast %slice3A_32 : vector<1x128xf32> to vector<512x128xf32>
    %add3A_34 = arith.addf %sub3A_31, %add3A_33 : vector<512x128xf32>
    %lt3A_35 = arith.cmpf olt, %add3A_34, %select_n3A : vector<512x128xf32>
    %select_n3A_36 = arith.select %lt3A_35, %add3A_34, %select_n3A : vector<512x128xi1>, vector<512x128xf32>
    %jit3A_37 = arith.constant 2.000000e+00 : f32
    %broadcast_in_dim3A_38 = vector.broadcast %jit3A_37 : f32 to vector<512x128xf32>
    %select_n3A_39 = arith.select %lt3A_35, %broadcast_in_dim3A_38, %select_n3A_28 : vector<512x128xi1>, vector<512x128xf32>
    %slice3A_40 = vector.extract_strided_slice %dot_general3A_8 {offsets = [0, 384], sizes = [512, 128], strides = [1, 1]} : vector<512x8192xf32> to vector<512x128xf32>
    %sub3A_41 = vector.broadcast %broadcast_in_dim3A : vector<512x1xf32> to vector<512x128xf32>
    %sub3A_42 = arith.subf %sub3A_41, %slice3A_40 : vector<512x128xf32>
    %slice3A_43 = vector.extract_strided_slice %get3A_12 {offsets = [0, 384], sizes = [1, 128], strides = [1, 1]} : vector<1x8192xf32> to vector<1x128xf32>
    %add3A_44 = vector.broadcast %slice3A_43 : vector<1x128xf32> to vector<512x128xf32>
    %add3A_45 = arith.addf %sub3A_42, %add3A_44 : vector<512x128xf32>
    %lt3A_46 = arith.cmpf olt, %add3A_45, %select_n3A_36 : vector<512x128xf32>
    %select_n3A_47 = arith.select %lt3A_46, %add3A_45, %select_n3A_36 : vector<512x128xi1>, vector<512x128xf32>
    %jit3A_48 = arith.constant 3.000000e+00 : f32
    %broadcast_in_dim3A_49 = vector.broadcast %jit3A_48 : f32 to vector<512x128xf32>
    %select_n3A_50 = arith.select %lt3A_46, %broadcast_in_dim3A_49, %select_n3A_39 : vector<512x128xi1>, vector<512x128xf32>
    %slice3A_51 = vector.extract_strided_slice %dot_general3A_8 {offsets = [0, 512], sizes = [512, 128], strides = [1, 1]} : vector<512x8192xf32> to vector<512x128xf32>
    %sub3A_52 = vector.broadcast %broadcast_in_dim3A : vector<512x1xf32> to vector<512x128xf32>
    %sub3A_53 = arith.subf %sub3A_52, %slice3A_51 : vector<512x128xf32>
    %slice3A_54 = vector.extract_strided_slice %get3A_12 {offsets = [0, 512], sizes = [1, 128], strides = [1, 1]} : vector<1x8192xf32> to vector<1x128xf32>
    %add3A_55 = vector.broadcast %slice3A_54 : vector<1x128xf32> to vector<512x128xf32>
    %add3A_56 = arith.addf %sub3A_53, %add3A_55 : vector<512x128xf32>
    %lt3A_57 = arith.cmpf olt, %add3A_56, %select_n3A_47 : vector<512x128xf32>
    %select_n3A_58 = arith.select %lt3A_57, %add3A_56, %select_n3A_47 : vector<512x128xi1>, vector<512x128xf32>
    %jit3A_59 = arith.constant 4.000000e+00 : f32
    %broadcast_in_dim3A_60 = vector.broadcast %jit3A_59 : f32 to vector<512x128xf32>
    %select_n3A_61 = arith.select %lt3A_57, %broadcast_in_dim3A_60, %select_n3A_50 : vector<512x128xi1>, vector<512x128xf32>
    %slice3A_62 = vector.extract_strided_slice %dot_general3A_8 {offsets = [0, 640], sizes = [512, 128], strides = [1, 1]} : vector<512x8192xf32> to vector<512x128xf32>
    %sub3A_63 = vector.broadcast %broadcast_in_dim3A : vector<512x1xf32> to vector<512x128xf32>
    %sub3A_64 = arith.subf %sub3A_63, %slice3A_62 : vector<512x128xf32>
    %slice3A_65 = vector.extract_strided_slice %get3A_12 {offsets = [0, 640], sizes = [1, 128], strides = [1, 1]} : vector<1x8192xf32> to vector<1x128xf32>
    %add3A_66 = vector.broadcast %slice3A_65 : vector<1x128xf32> to vector<512x128xf32>
    %add3A_67 = arith.addf %sub3A_64, %add3A_66 : vector<512x128xf32>
    %lt3A_68 = arith.cmpf olt, %add3A_67, %select_n3A_58 : vector<512x128xf32>
    %select_n3A_69 = arith.select %lt3A_68, %add3A_67, %select_n3A_58 : vector<512x128xi1>, vector<512x128xf32>
    %jit3A_70 = arith.constant 5.000000e+00 : f32
    %broadcast_in_dim3A_71 = vector.broadcast %jit3A_70 : f32 to vector<512x128xf32>
    %select_n3A_72 = arith.select %lt3A_68, %broadcast_in_dim3A_71, %select_n3A_61 : vector<512x128xi1>, vector<512x128xf32>
    %slice3A_73 = vector.extract_strided_slice %dot_general3A_8 {offsets = [0, 768], sizes = [512, 128], strides = [1, 1]} : vector<512x8192xf32> to vector<512x128xf32>
    %sub3A_74 = vector.broadcast %broadcast_in_dim3A : vector<512x1xf32> to vector<512x128xf32>
    %sub3A_75 = arith.subf %sub3A_74, %slice3A_73 : vector<512x128xf32>
    %slice3A_76 = vector.extract_strided_slice %get3A_12 {offsets = [0, 768], sizes = [1, 128], strides = [1, 1]} : vector<1x8192xf32> to vector<1x128xf32>
    %add3A_77 = vector.broadcast %slice3A_76 : vector<1x128xf32> to vector<512x128xf32>
    %add3A_78 = arith.addf %sub3A_75, %add3A_77 : vector<512x128xf32>
    %lt3A_79 = arith.cmpf olt, %add3A_78, %select_n3A_69 : vector<512x128xf32>
    %select_n3A_80 = arith.select %lt3A_79, %add3A_78, %select_n3A_69 : vector<512x128xi1>, vector<512x128xf32>
    %jit3A_81 = arith.constant 6.000000e+00 : f32
    %broadcast_in_dim3A_82 = vector.broadcast %jit3A_81 : f32 to vector<512x128xf32>
    %select_n3A_83 = arith.select %lt3A_79, %broadcast_in_dim3A_82, %select_n3A_72 : vector<512x128xi1>, vector<512x128xf32>
    %slice3A_84 = vector.extract_strided_slice %dot_general3A_8 {offsets = [0, 896], sizes = [512, 128], strides = [1, 1]} : vector<512x8192xf32> to vector<512x128xf32>
    %sub3A_85 = vector.broadcast %broadcast_in_dim3A : vector<512x1xf32> to vector<512x128xf32>
    %sub3A_86 = arith.subf %sub3A_85, %slice3A_84 : vector<512x128xf32>
    %slice3A_87 = vector.extract_strided_slice %get3A_12 {offsets = [0, 896], sizes = [1, 128], strides = [1, 1]} : vector<1x8192xf32> to vector<1x128xf32>
    %add3A_88 = vector.broadcast %slice3A_87 : vector<1x128xf32> to vector<512x128xf32>
    %add3A_89 = arith.addf %sub3A_86, %add3A_88 : vector<512x128xf32>
    %lt3A_90 = arith.cmpf olt, %add3A_89, %select_n3A_80 : vector<512x128xf32>
    %select_n3A_91 = arith.select %lt3A_90, %add3A_89, %select_n3A_80 : vector<512x128xi1>, vector<512x128xf32>
    %jit3A_92 = arith.constant 7.000000e+00 : f32
    %broadcast_in_dim3A_93 = vector.broadcast %jit3A_92 : f32 to vector<512x128xf32>
    %select_n3A_94 = arith.select %lt3A_90, %broadcast_in_dim3A_93, %select_n3A_83 : vector<512x128xi1>, vector<512x128xf32>
    %slice3A_95 = vector.extract_strided_slice %dot_general3A_8 {offsets = [0, 1024], sizes = [512, 128], strides = [1, 1]} : vector<512x8192xf32> to vector<512x128xf32>
    %sub3A_96 = vector.broadcast %broadcast_in_dim3A : vector<512x1xf32> to vector<512x128xf32>
    %sub3A_97 = arith.subf %sub3A_96, %slice3A_95 : vector<512x128xf32>
    %slice3A_98 = vector.extract_strided_slice %get3A_12 {offsets = [0, 1024], sizes = [1, 128], strides = [1, 1]} : vector<1x8192xf32> to vector<1x128xf32>
    %add3A_99 = vector.broadcast %slice3A_98 : vector<1x128xf32> to vector<512x128xf32>
    %add3A_100 = arith.addf %sub3A_97, %add3A_99 : vector<512x128xf32>
    %lt3A_101 = arith.cmpf olt, %add3A_100, %select_n3A_91 : vector<512x128xf32>
    %select_n3A_102 = arith.select %lt3A_101, %add3A_100, %select_n3A_91 : vector<512x128xi1>, vector<512x128xf32>
    %jit3A_103 = arith.constant 8.000000e+00 : f32
    %broadcast_in_dim3A_104 = vector.broadcast %jit3A_103 : f32 to vector<512x128xf32>
    %select_n3A_105 = arith.select %lt3A_101, %broadcast_in_dim3A_104, %select_n3A_94 : vector<512x128xi1>, vector<512x128xf32>
    %slice3A_106 = vector.extract_strided_slice %dot_general3A_8 {offsets = [0, 1152], sizes = [512, 128], strides = [1, 1]} : vector<512x8192xf32> to vector<512x128xf32>
    %sub3A_107 = vector.broadcast %broadcast_in_dim3A : vector<512x1xf32> to vector<512x128xf32>
    %sub3A_108 = arith.subf %sub3A_107, %slice3A_106 : vector<512x128xf32>
    %slice3A_109 = vector.extract_strided_slice %get3A_12 {offsets = [0, 1152], sizes = [1, 128], strides = [1, 1]} : vector<1x8192xf32> to vector<1x128xf32>
    %add3A_110 = vector.broadcast %slice3A_109 : vector<1x128xf32> to vector<512x128xf32>
    %add3A_111 = arith.addf %sub3A_108, %add3A_110 : vector<512x128xf32>
    %lt3A_112 = arith.cmpf olt, %add3A_111, %select_n3A_102 : vector<512x128xf32>
    %select_n3A_113 = arith.select %lt3A_112, %add3A_111, %select_n3A_102 : vector<512x128xi1>, vector<512x128xf32>
    %jit3A_114 = arith.constant 9.000000e+00 : f32
    %broadcast_in_dim3A_115 = vector.broadcast %jit3A_114 : f32 to vector<512x128xf32>
    %select_n3A_116 = arith.select %lt3A_112, %broadcast_in_dim3A_115, %select_n3A_105 : vector<512x128xi1>, vector<512x128xf32>
    %slice3A_117 = vector.extract_strided_slice %dot_general3A_8 {offsets = [0, 1280], sizes = [512, 128], strides = [1, 1]} : vector<512x8192xf32> to vector<512x128xf32>
    %sub3A_118 = vector.broadcast %broadcast_in_dim3A : vector<512x1xf32> to vector<512x128xf32>
    %sub3A_119 = arith.subf %sub3A_118, %slice3A_117 : vector<512x128xf32>
    %slice3A_120 = vector.extract_strided_slice %get3A_12 {offsets = [0, 1280], sizes = [1, 128], strides = [1, 1]} : vector<1x8192xf32> to vector<1x128xf32>
    %add3A_121 = vector.broadcast %slice3A_120 : vector<1x128xf32> to vector<512x128xf32>
    %add3A_122 = arith.addf %sub3A_119, %add3A_121 : vector<512x128xf32>
    %lt3A_123 = arith.cmpf olt, %add3A_122, %select_n3A_113 : vector<512x128xf32>
    %select_n3A_124 = arith.select %lt3A_123, %add3A_122, %select_n3A_113 : vector<512x128xi1>, vector<512x128xf32>
    %jit3A_125 = arith.constant 1.000000e+01 : f32
    %broadcast_in_dim3A_126 = vector.broadcast %jit3A_125 : f32 to vector<512x128xf32>
    %select_n3A_127 = arith.select %lt3A_123, %broadcast_in_dim3A_126, %select_n3A_116 : vector<512x128xi1>, vector<512x128xf32>
    %slice3A_128 = vector.extract_strided_slice %dot_general3A_8 {offsets = [0, 1408], sizes = [512, 128], strides = [1, 1]} : vector<512x8192xf32> to vector<512x128xf32>
    %sub3A_129 = vector.broadcast %broadcast_in_dim3A : vector<512x1xf32> to vector<512x128xf32>
    %sub3A_130 = arith.subf %sub3A_129, %slice3A_128 : vector<512x128xf32>
    %slice3A_131 = vector.extract_strided_slice %get3A_12 {offsets = [0, 1408], sizes = [1, 128], strides = [1, 1]} : vector<1x8192xf32> to vector<1x128xf32>
    %add3A_132 = vector.broadcast %slice3A_131 : vector<1x128xf32> to vector<512x128xf32>
    %add3A_133 = arith.addf %sub3A_130, %add3A_132 : vector<512x128xf32>
    %lt3A_134 = arith.cmpf olt, %add3A_133, %select_n3A_124 : vector<512x128xf32>
    %select_n3A_135 = arith.select %lt3A_134, %add3A_133, %select_n3A_124 : vector<512x128xi1>, vector<512x128xf32>
    %jit3A_136 = arith.constant 1.100000e+01 : f32
    %broadcast_in_dim3A_137 = vector.broadcast %jit3A_136 : f32 to vector<512x128xf32>
    %select_n3A_138 = arith.select %lt3A_134, %broadcast_in_dim3A_137, %select_n3A_127 : vector<512x128xi1>, vector<512x128xf32>
    %slice3A_139 = vector.extract_strided_slice %dot_general3A_8 {offsets = [0, 1536], sizes = [512, 128], strides = [1, 1]} : vector<512x8192xf32> to vector<512x128xf32>
    %sub3A_140 = vector.broadcast %broadcast_in_dim3A : vector<512x1xf32> to vector<512x128xf32>
    %sub3A_141 = arith.subf %sub3A_140, %slice3A_139 : vector<512x128xf32>
    %slice3A_142 = vector.extract_strided_slice %get3A_12 {offsets = [0, 1536], sizes = [1, 128], strides = [1, 1]} : vector<1x8192xf32> to vector<1x128xf32>
    %add3A_143 = vector.broadcast %slice3A_142 : vector<1x128xf32> to vector<512x128xf32>
    %add3A_144 = arith.addf %sub3A_141, %add3A_143 : vector<512x128xf32>
    %lt3A_145 = arith.cmpf olt, %add3A_144, %select_n3A_135 : vector<512x128xf32>
    %select_n3A_146 = arith.select %lt3A_145, %add3A_144, %select_n3A_135 : vector<512x128xi1>, vector<512x128xf32>
    %jit3A_147 = arith.constant 1.200000e+01 : f32
    %broadcast_in_dim3A_148 = vector.broadcast %jit3A_147 : f32 to vector<512x128xf32>
    %select_n3A_149 = arith.select %lt3A_145, %broadcast_in_dim3A_148, %select_n3A_138 : vector<512x128xi1>, vector<512x128xf32>
    %slice3A_150 = vector.extract_strided_slice %dot_general3A_8 {offsets = [0, 1664], sizes = [512, 128], strides = [1, 1]} : vector<512x8192xf32> to vector<512x128xf32>
    %sub3A_151 = vector.broadcast %broadcast_in_dim3A : vector<512x1xf32> to vector<512x128xf32>
    %sub3A_152 = arith.subf %sub3A_151, %slice3A_150 : vector<512x128xf32>
    %slice3A_153 = vector.extract_strided_slice %get3A_12 {offsets = [0, 1664], sizes = [1, 128], strides = [1, 1]} : vector<1x8192xf32> to vector<1x128xf32>
    %add3A_154 = vector.broadcast %slice3A_153 : vector<1x128xf32> to vector<512x128xf32>
    %add3A_155 = arith.addf %sub3A_152, %add3A_154 : vector<512x128xf32>
    %lt3A_156 = arith.cmpf olt, %add3A_155, %select_n3A_146 : vector<512x128xf32>
    %select_n3A_157 = arith.select %lt3A_156, %add3A_155, %select_n3A_146 : vector<512x128xi1>, vector<512x128xf32>
    %jit3A_158 = arith.constant 1.300000e+01 : f32
    %broadcast_in_dim3A_159 = vector.broadcast %jit3A_158 : f32 to vector<512x128xf32>
    %select_n3A_160 = arith.select %lt3A_156, %broadcast_in_dim3A_159, %select_n3A_149 : vector<512x128xi1>, vector<512x128xf32>
    %slice3A_161 = vector.extract_strided_slice %dot_general3A_8 {offsets = [0, 1792], sizes = [512, 128], strides = [1, 1]} : vector<512x8192xf32> to vector<512x128xf32>
    %sub3A_162 = vector.broadcast %broadcast_in_dim3A : vector<512x1xf32> to vector<512x128xf32>
    %sub3A_163 = arith.subf %sub3A_162, %slice3A_161 : vector<512x128xf32>
    %slice3A_164 = vector.extract_strided_slice %get3A_12 {offsets = [0, 1792], sizes = [1, 128], strides = [1, 1]} : vector<1x8192xf32> to vector<1x128xf32>
    %add3A_165 = vector.broadcast %slice3A_164 : vector<1x128xf32> to vector<512x128xf32>
    %add3A_166 = arith.addf %sub3A_163, %add3A_165 : vector<512x128xf32>
    %lt3A_167 = arith.cmpf olt, %add3A_166, %select_n3A_157 : vector<512x128xf32>
    %select_n3A_168 = arith.select %lt3A_167, %add3A_166, %select_n3A_157 : vector<512x128xi1>, vector<512x128xf32>
    %jit3A_169 = arith.constant 1.400000e+01 : f32
    %broadcast_in_dim3A_170 = vector.broadcast %jit3A_169 : f32 to vector<512x128xf32>
    %select_n3A_171 = arith.select %lt3A_167, %broadcast_in_dim3A_170, %select_n3A_160 : vector<512x128xi1>, vector<512x128xf32>
    %slice3A_172 = vector.extract_strided_slice %dot_general3A_8 {offsets = [0, 1920], sizes = [512, 128], strides = [1, 1]} : vector<512x8192xf32> to vector<512x128xf32>
    %sub3A_173 = vector.broadcast %broadcast_in_dim3A : vector<512x1xf32> to vector<512x128xf32>
    %sub3A_174 = arith.subf %sub3A_173, %slice3A_172 : vector<512x128xf32>
    %slice3A_175 = vector.extract_strided_slice %get3A_12 {offsets = [0, 1920], sizes = [1, 128], strides = [1, 1]} : vector<1x8192xf32> to vector<1x128xf32>
    %add3A_176 = vector.broadcast %slice3A_175 : vector<1x128xf32> to vector<512x128xf32>
    %add3A_177 = arith.addf %sub3A_174, %add3A_176 : vector<512x128xf32>
    %lt3A_178 = arith.cmpf olt, %add3A_177, %select_n3A_168 : vector<512x128xf32>
    %select_n3A_179 = arith.select %lt3A_178, %add3A_177, %select_n3A_168 : vector<512x128xi1>, vector<512x128xf32>
    %jit3A_180 = arith.constant 1.500000e+01 : f32
    %broadcast_in_dim3A_181 = vector.broadcast %jit3A_180 : f32 to vector<512x128xf32>
    %select_n3A_182 = arith.select %lt3A_178, %broadcast_in_dim3A_181, %select_n3A_171 : vector<512x128xi1>, vector<512x128xf32>
    %slice3A_183 = vector.extract_strided_slice %dot_general3A_8 {offsets = [0, 2048], sizes = [512, 128], strides = [1, 1]} : vector<512x8192xf32> to vector<512x128xf32>
    %sub3A_184 = vector.broadcast %broadcast_in_dim3A : vector<512x1xf32> to vector<512x128xf32>
    %sub3A_185 = arith.subf %sub3A_184, %slice3A_183 : vector<512x128xf32>
    %slice3A_186 = vector.extract_strided_slice %get3A_12 {offsets = [0, 2048], sizes = [1, 128], strides = [1, 1]} : vector<1x8192xf32> to vector<1x128xf32>
    %add3A_187 = vector.broadcast %slice3A_186 : vector<1x128xf32> to vector<512x128xf32>
    %add3A_188 = arith.addf %sub3A_185, %add3A_187 : vector<512x128xf32>
    %lt3A_189 = arith.cmpf olt, %add3A_188, %select_n3A_179 : vector<512x128xf32>
    %select_n3A_190 = arith.select %lt3A_189, %add3A_188, %select_n3A_179 : vector<512x128xi1>, vector<512x128xf32>
    %jit3A_191 = arith.constant 1.600000e+01 : f32
    %broadcast_in_dim3A_192 = vector.broadcast %jit3A_191 : f32 to vector<512x128xf32>
    %select_n3A_193 = arith.select %lt3A_189, %broadcast_in_dim3A_192, %select_n3A_182 : vector<512x128xi1>, vector<512x128xf32>
    %slice3A_194 = vector.extract_strided_slice %dot_general3A_8 {offsets = [0, 2176], sizes = [512, 128], strides = [1, 1]} : vector<512x8192xf32> to vector<512x128xf32>
    %sub3A_195 = vector.broadcast %broadcast_in_dim3A : vector<512x1xf32> to vector<512x128xf32>
    %sub3A_196 = arith.subf %sub3A_195, %slice3A_194 : vector<512x128xf32>
    %slice3A_197 = vector.extract_strided_slice %get3A_12 {offsets = [0, 2176], sizes = [1, 128], strides = [1, 1]} : vector<1x8192xf32> to vector<1x128xf32>
    %add3A_198 = vector.broadcast %slice3A_197 : vector<1x128xf32> to vector<512x128xf32>
    %add3A_199 = arith.addf %sub3A_196, %add3A_198 : vector<512x128xf32>
    %lt3A_200 = arith.cmpf olt, %add3A_199, %select_n3A_190 : vector<512x128xf32>
    %select_n3A_201 = arith.select %lt3A_200, %add3A_199, %select_n3A_190 : vector<512x128xi1>, vector<512x128xf32>
    %jit3A_202 = arith.constant 1.700000e+01 : f32
    %broadcast_in_dim3A_203 = vector.broadcast %jit3A_202 : f32 to vector<512x128xf32>
    %select_n3A_204 = arith.select %lt3A_200, %broadcast_in_dim3A_203, %select_n3A_193 : vector<512x128xi1>, vector<512x128xf32>
    %slice3A_205 = vector.extract_strided_slice %dot_general3A_8 {offsets = [0, 2304], sizes = [512, 128], strides = [1, 1]} : vector<512x8192xf32> to vector<512x128xf32>
    %sub3A_206 = vector.broadcast %broadcast_in_dim3A : vector<512x1xf32> to vector<512x128xf32>
    %sub3A_207 = arith.subf %sub3A_206, %slice3A_205 : vector<512x128xf32>
    %slice3A_208 = vector.extract_strided_slice %get3A_12 {offsets = [0, 2304], sizes = [1, 128], strides = [1, 1]} : vector<1x8192xf32> to vector<1x128xf32>
    %add3A_209 = vector.broadcast %slice3A_208 : vector<1x128xf32> to vector<512x128xf32>
    %add3A_210 = arith.addf %sub3A_207, %add3A_209 : vector<512x128xf32>
    %lt3A_211 = arith.cmpf olt, %add3A_210, %select_n3A_201 : vector<512x128xf32>
    %select_n3A_212 = arith.select %lt3A_211, %add3A_210, %select_n3A_201 : vector<512x128xi1>, vector<512x128xf32>
    %jit3A_213 = arith.constant 1.800000e+01 : f32
    %broadcast_in_dim3A_214 = vector.broadcast %jit3A_213 : f32 to vector<512x128xf32>
    %select_n3A_215 = arith.select %lt3A_211, %broadcast_in_dim3A_214, %select_n3A_204 : vector<512x128xi1>, vector<512x128xf32>
    %slice3A_216 = vector.extract_strided_slice %dot_general3A_8 {offsets = [0, 2432], sizes = [512, 128], strides = [1, 1]} : vector<512x8192xf32> to vector<512x128xf32>
    %sub3A_217 = vector.broadcast %broadcast_in_dim3A : vector<512x1xf32> to vector<512x128xf32>
    %sub3A_218 = arith.subf %sub3A_217, %slice3A_216 : vector<512x128xf32>
    %slice3A_219 = vector.extract_strided_slice %get3A_12 {offsets = [0, 2432], sizes = [1, 128], strides = [1, 1]} : vector<1x8192xf32> to vector<1x128xf32>
    %add3A_220 = vector.broadcast %slice3A_219 : vector<1x128xf32> to vector<512x128xf32>
    %add3A_221 = arith.addf %sub3A_218, %add3A_220 : vector<512x128xf32>
    %lt3A_222 = arith.cmpf olt, %add3A_221, %select_n3A_212 : vector<512x128xf32>
    %select_n3A_223 = arith.select %lt3A_222, %add3A_221, %select_n3A_212 : vector<512x128xi1>, vector<512x128xf32>
    %jit3A_224 = arith.constant 1.900000e+01 : f32
    %broadcast_in_dim3A_225 = vector.broadcast %jit3A_224 : f32 to vector<512x128xf32>
    %select_n3A_226 = arith.select %lt3A_222, %broadcast_in_dim3A_225, %select_n3A_215 : vector<512x128xi1>, vector<512x128xf32>
    %slice3A_227 = vector.extract_strided_slice %dot_general3A_8 {offsets = [0, 2560], sizes = [512, 128], strides = [1, 1]} : vector<512x8192xf32> to vector<512x128xf32>
    %sub3A_228 = vector.broadcast %broadcast_in_dim3A : vector<512x1xf32> to vector<512x128xf32>
    %sub3A_229 = arith.subf %sub3A_228, %slice3A_227 : vector<512x128xf32>
    %slice3A_230 = vector.extract_strided_slice %get3A_12 {offsets = [0, 2560], sizes = [1, 128], strides = [1, 1]} : vector<1x8192xf32> to vector<1x128xf32>
    %add3A_231 = vector.broadcast %slice3A_230 : vector<1x128xf32> to vector<512x128xf32>
    %add3A_232 = arith.addf %sub3A_229, %add3A_231 : vector<512x128xf32>
    %lt3A_233 = arith.cmpf olt, %add3A_232, %select_n3A_223 : vector<512x128xf32>
    %select_n3A_234 = arith.select %lt3A_233, %add3A_232, %select_n3A_223 : vector<512x128xi1>, vector<512x128xf32>
    %jit3A_235 = arith.constant 2.000000e+01 : f32
    %broadcast_in_dim3A_236 = vector.broadcast %jit3A_235 : f32 to vector<512x128xf32>
    %select_n3A_237 = arith.select %lt3A_233, %broadcast_in_dim3A_236, %select_n3A_226 : vector<512x128xi1>, vector<512x128xf32>
    %slice3A_238 = vector.extract_strided_slice %dot_general3A_8 {offsets = [0, 2688], sizes = [512, 128], strides = [1, 1]} : vector<512x8192xf32> to vector<512x128xf32>
    %sub3A_239 = vector.broadcast %broadcast_in_dim3A : vector<512x1xf32> to vector<512x128xf32>
    %sub3A_240 = arith.subf %sub3A_239, %slice3A_238 : vector<512x128xf32>
    %slice3A_241 = vector.extract_strided_slice %get3A_12 {offsets = [0, 2688], sizes = [1, 128], strides = [1, 1]} : vector<1x8192xf32> to vector<1x128xf32>
    %add3A_242 = vector.broadcast %slice3A_241 : vector<1x128xf32> to vector<512x128xf32>
    %add3A_243 = arith.addf %sub3A_240, %add3A_242 : vector<512x128xf32>
    %lt3A_244 = arith.cmpf olt, %add3A_243, %select_n3A_234 : vector<512x128xf32>
    %select_n3A_245 = arith.select %lt3A_244, %add3A_243, %select_n3A_234 : vector<512x128xi1>, vector<512x128xf32>
    %jit3A_246 = arith.constant 2.100000e+01 : f32
    %broadcast_in_dim3A_247 = vector.broadcast %jit3A_246 : f32 to vector<512x128xf32>
    %select_n3A_248 = arith.select %lt3A_244, %broadcast_in_dim3A_247, %select_n3A_237 : vector<512x128xi1>, vector<512x128xf32>
    %slice3A_249 = vector.extract_strided_slice %dot_general3A_8 {offsets = [0, 2816], sizes = [512, 128], strides = [1, 1]} : vector<512x8192xf32> to vector<512x128xf32>
    %sub3A_250 = vector.broadcast %broadcast_in_dim3A : vector<512x1xf32> to vector<512x128xf32>
    %sub3A_251 = arith.subf %sub3A_250, %slice3A_249 : vector<512x128xf32>
    %slice3A_252 = vector.extract_strided_slice %get3A_12 {offsets = [0, 2816], sizes = [1, 128], strides = [1, 1]} : vector<1x8192xf32> to vector<1x128xf32>
    %add3A_253 = vector.broadcast %slice3A_252 : vector<1x128xf32> to vector<512x128xf32>
    %add3A_254 = arith.addf %sub3A_251, %add3A_253 : vector<512x128xf32>
    %lt3A_255 = arith.cmpf olt, %add3A_254, %select_n3A_245 : vector<512x128xf32>
    %select_n3A_256 = arith.select %lt3A_255, %add3A_254, %select_n3A_245 : vector<512x128xi1>, vector<512x128xf32>
    %jit3A_257 = arith.constant 2.200000e+01 : f32
    %broadcast_in_dim3A_258 = vector.broadcast %jit3A_257 : f32 to vector<512x128xf32>
    %select_n3A_259 = arith.select %lt3A_255, %broadcast_in_dim3A_258, %select_n3A_248 : vector<512x128xi1>, vector<512x128xf32>
    %slice3A_260 = vector.extract_strided_slice %dot_general3A_8 {offsets = [0, 2944], sizes = [512, 128], strides = [1, 1]} : vector<512x8192xf32> to vector<512x128xf32>
    %sub3A_261 = vector.broadcast %broadcast_in_dim3A : vector<512x1xf32> to vector<512x128xf32>
    %sub3A_262 = arith.subf %sub3A_261, %slice3A_260 : vector<512x128xf32>
    %slice3A_263 = vector.extract_strided_slice %get3A_12 {offsets = [0, 2944], sizes = [1, 128], strides = [1, 1]} : vector<1x8192xf32> to vector<1x128xf32>
    %add3A_264 = vector.broadcast %slice3A_263 : vector<1x128xf32> to vector<512x128xf32>
    %add3A_265 = arith.addf %sub3A_262, %add3A_264 : vector<512x128xf32>
    %lt3A_266 = arith.cmpf olt, %add3A_265, %select_n3A_256 : vector<512x128xf32>
    %select_n3A_267 = arith.select %lt3A_266, %add3A_265, %select_n3A_256 : vector<512x128xi1>, vector<512x128xf32>
    %jit3A_268 = arith.constant 2.300000e+01 : f32
    %broadcast_in_dim3A_269 = vector.broadcast %jit3A_268 : f32 to vector<512x128xf32>
    %select_n3A_270 = arith.select %lt3A_266, %broadcast_in_dim3A_269, %select_n3A_259 : vector<512x128xi1>, vector<512x128xf32>
    %slice3A_271 = vector.extract_strided_slice %dot_general3A_8 {offsets = [0, 3072], sizes = [512, 128], strides = [1, 1]} : vector<512x8192xf32> to vector<512x128xf32>
    %sub3A_272 = vector.broadcast %broadcast_in_dim3A : vector<512x1xf32> to vector<512x128xf32>
    %sub3A_273 = arith.subf %sub3A_272, %slice3A_271 : vector<512x128xf32>
    %slice3A_274 = vector.extract_strided_slice %get3A_12 {offsets = [0, 3072], sizes = [1, 128], strides = [1, 1]} : vector<1x8192xf32> to vector<1x128xf32>
    %add3A_275 = vector.broadcast %slice3A_274 : vector<1x128xf32> to vector<512x128xf32>
    %add3A_276 = arith.addf %sub3A_273, %add3A_275 : vector<512x128xf32>
    %lt3A_277 = arith.cmpf olt, %add3A_276, %select_n3A_267 : vector<512x128xf32>
    %select_n3A_278 = arith.select %lt3A_277, %add3A_276, %select_n3A_267 : vector<512x128xi1>, vector<512x128xf32>
    %jit3A_279 = arith.constant 2.400000e+01 : f32
    %broadcast_in_dim3A_280 = vector.broadcast %jit3A_279 : f32 to vector<512x128xf32>
    %select_n3A_281 = arith.select %lt3A_277, %broadcast_in_dim3A_280, %select_n3A_270 : vector<512x128xi1>, vector<512x128xf32>
    %slice3A_282 = vector.extract_strided_slice %dot_general3A_8 {offsets = [0, 3200], sizes = [512, 128], strides = [1, 1]} : vector<512x8192xf32> to vector<512x128xf32>
    %sub3A_283 = vector.broadcast %broadcast_in_dim3A : vector<512x1xf32> to vector<512x128xf32>
    %sub3A_284 = arith.subf %sub3A_283, %slice3A_282 : vector<512x128xf32>
    %slice3A_285 = vector.extract_strided_slice %get3A_12 {offsets = [0, 3200], sizes = [1, 128], strides = [1, 1]} : vector<1x8192xf32> to vector<1x128xf32>
    %add3A_286 = vector.broadcast %slice3A_285 : vector<1x128xf32> to vector<512x128xf32>
    %add3A_287 = arith.addf %sub3A_284, %add3A_286 : vector<512x128xf32>
    %lt3A_288 = arith.cmpf olt, %add3A_287, %select_n3A_278 : vector<512x128xf32>
    %select_n3A_289 = arith.select %lt3A_288, %add3A_287, %select_n3A_278 : vector<512x128xi1>, vector<512x128xf32>
    %jit3A_290 = arith.constant 2.500000e+01 : f32
    %broadcast_in_dim3A_291 = vector.broadcast %jit3A_290 : f32 to vector<512x128xf32>
    %select_n3A_292 = arith.select %lt3A_288, %broadcast_in_dim3A_291, %select_n3A_281 : vector<512x128xi1>, vector<512x128xf32>
    %slice3A_293 = vector.extract_strided_slice %dot_general3A_8 {offsets = [0, 3328], sizes = [512, 128], strides = [1, 1]} : vector<512x8192xf32> to vector<512x128xf32>
    %sub3A_294 = vector.broadcast %broadcast_in_dim3A : vector<512x1xf32> to vector<512x128xf32>
    %sub3A_295 = arith.subf %sub3A_294, %slice3A_293 : vector<512x128xf32>
    %slice3A_296 = vector.extract_strided_slice %get3A_12 {offsets = [0, 3328], sizes = [1, 128], strides = [1, 1]} : vector<1x8192xf32> to vector<1x128xf32>
    %add3A_297 = vector.broadcast %slice3A_296 : vector<1x128xf32> to vector<512x128xf32>
    %add3A_298 = arith.addf %sub3A_295, %add3A_297 : vector<512x128xf32>
    %lt3A_299 = arith.cmpf olt, %add3A_298, %select_n3A_289 : vector<512x128xf32>
    %select_n3A_300 = arith.select %lt3A_299, %add3A_298, %select_n3A_289 : vector<512x128xi1>, vector<512x128xf32>
    %jit3A_301 = arith.constant 2.600000e+01 : f32
    %broadcast_in_dim3A_302 = vector.broadcast %jit3A_301 : f32 to vector<512x128xf32>
    %select_n3A_303 = arith.select %lt3A_299, %broadcast_in_dim3A_302, %select_n3A_292 : vector<512x128xi1>, vector<512x128xf32>
    %slice3A_304 = vector.extract_strided_slice %dot_general3A_8 {offsets = [0, 3456], sizes = [512, 128], strides = [1, 1]} : vector<512x8192xf32> to vector<512x128xf32>
    %sub3A_305 = vector.broadcast %broadcast_in_dim3A : vector<512x1xf32> to vector<512x128xf32>
    %sub3A_306 = arith.subf %sub3A_305, %slice3A_304 : vector<512x128xf32>
    %slice3A_307 = vector.extract_strided_slice %get3A_12 {offsets = [0, 3456], sizes = [1, 128], strides = [1, 1]} : vector<1x8192xf32> to vector<1x128xf32>
    %add3A_308 = vector.broadcast %slice3A_307 : vector<1x128xf32> to vector<512x128xf32>
    %add3A_309 = arith.addf %sub3A_306, %add3A_308 : vector<512x128xf32>
    %lt3A_310 = arith.cmpf olt, %add3A_309, %select_n3A_300 : vector<512x128xf32>
    %select_n3A_311 = arith.select %lt3A_310, %add3A_309, %select_n3A_300 : vector<512x128xi1>, vector<512x128xf32>
    %jit3A_312 = arith.constant 2.700000e+01 : f32
    %broadcast_in_dim3A_313 = vector.broadcast %jit3A_312 : f32 to vector<512x128xf32>
    %select_n3A_314 = arith.select %lt3A_310, %broadcast_in_dim3A_313, %select_n3A_303 : vector<512x128xi1>, vector<512x128xf32>
    %slice3A_315 = vector.extract_strided_slice %dot_general3A_8 {offsets = [0, 3584], sizes = [512, 128], strides = [1, 1]} : vector<512x8192xf32> to vector<512x128xf32>
    %sub3A_316 = vector.broadcast %broadcast_in_dim3A : vector<512x1xf32> to vector<512x128xf32>
    %sub3A_317 = arith.subf %sub3A_316, %slice3A_315 : vector<512x128xf32>
    %slice3A_318 = vector.extract_strided_slice %get3A_12 {offsets = [0, 3584], sizes = [1, 128], strides = [1, 1]} : vector<1x8192xf32> to vector<1x128xf32>
    %add3A_319 = vector.broadcast %slice3A_318 : vector<1x128xf32> to vector<512x128xf32>
    %add3A_320 = arith.addf %sub3A_317, %add3A_319 : vector<512x128xf32>
    %lt3A_321 = arith.cmpf olt, %add3A_320, %select_n3A_311 : vector<512x128xf32>
    %select_n3A_322 = arith.select %lt3A_321, %add3A_320, %select_n3A_311 : vector<512x128xi1>, vector<512x128xf32>
    %jit3A_323 = arith.constant 2.800000e+01 : f32
    %broadcast_in_dim3A_324 = vector.broadcast %jit3A_323 : f32 to vector<512x128xf32>
    %select_n3A_325 = arith.select %lt3A_321, %broadcast_in_dim3A_324, %select_n3A_314 : vector<512x128xi1>, vector<512x128xf32>
    %slice3A_326 = vector.extract_strided_slice %dot_general3A_8 {offsets = [0, 3712], sizes = [512, 128], strides = [1, 1]} : vector<512x8192xf32> to vector<512x128xf32>
    %sub3A_327 = vector.broadcast %broadcast_in_dim3A : vector<512x1xf32> to vector<512x128xf32>
    %sub3A_328 = arith.subf %sub3A_327, %slice3A_326 : vector<512x128xf32>
    %slice3A_329 = vector.extract_strided_slice %get3A_12 {offsets = [0, 3712], sizes = [1, 128], strides = [1, 1]} : vector<1x8192xf32> to vector<1x128xf32>
    %add3A_330 = vector.broadcast %slice3A_329 : vector<1x128xf32> to vector<512x128xf32>
    %add3A_331 = arith.addf %sub3A_328, %add3A_330 : vector<512x128xf32>
    %lt3A_332 = arith.cmpf olt, %add3A_331, %select_n3A_322 : vector<512x128xf32>
    %select_n3A_333 = arith.select %lt3A_332, %add3A_331, %select_n3A_322 : vector<512x128xi1>, vector<512x128xf32>
    %jit3A_334 = arith.constant 2.900000e+01 : f32
    %broadcast_in_dim3A_335 = vector.broadcast %jit3A_334 : f32 to vector<512x128xf32>
    %select_n3A_336 = arith.select %lt3A_332, %broadcast_in_dim3A_335, %select_n3A_325 : vector<512x128xi1>, vector<512x128xf32>
    %slice3A_337 = vector.extract_strided_slice %dot_general3A_8 {offsets = [0, 3840], sizes = [512, 128], strides = [1, 1]} : vector<512x8192xf32> to vector<512x128xf32>
    %sub3A_338 = vector.broadcast %broadcast_in_dim3A : vector<512x1xf32> to vector<512x128xf32>
    %sub3A_339 = arith.subf %sub3A_338, %slice3A_337 : vector<512x128xf32>
    %slice3A_340 = vector.extract_strided_slice %get3A_12 {offsets = [0, 3840], sizes = [1, 128], strides = [1, 1]} : vector<1x8192xf32> to vector<1x128xf32>
    %add3A_341 = vector.broadcast %slice3A_340 : vector<1x128xf32> to vector<512x128xf32>
    %add3A_342 = arith.addf %sub3A_339, %add3A_341 : vector<512x128xf32>
    %lt3A_343 = arith.cmpf olt, %add3A_342, %select_n3A_333 : vector<512x128xf32>
    %select_n3A_344 = arith.select %lt3A_343, %add3A_342, %select_n3A_333 : vector<512x128xi1>, vector<512x128xf32>
    %jit3A_345 = arith.constant 3.000000e+01 : f32
    %broadcast_in_dim3A_346 = vector.broadcast %jit3A_345 : f32 to vector<512x128xf32>
    %select_n3A_347 = arith.select %lt3A_343, %broadcast_in_dim3A_346, %select_n3A_336 : vector<512x128xi1>, vector<512x128xf32>
    %slice3A_348 = vector.extract_strided_slice %dot_general3A_8 {offsets = [0, 3968], sizes = [512, 128], strides = [1, 1]} : vector<512x8192xf32> to vector<512x128xf32>
    %sub3A_349 = vector.broadcast %broadcast_in_dim3A : vector<512x1xf32> to vector<512x128xf32>
    %sub3A_350 = arith.subf %sub3A_349, %slice3A_348 : vector<512x128xf32>
    %slice3A_351 = vector.extract_strided_slice %get3A_12 {offsets = [0, 3968], sizes = [1, 128], strides = [1, 1]} : vector<1x8192xf32> to vector<1x128xf32>
    %add3A_352 = vector.broadcast %slice3A_351 : vector<1x128xf32> to vector<512x128xf32>
    %add3A_353 = arith.addf %sub3A_350, %add3A_352 : vector<512x128xf32>
    %lt3A_354 = arith.cmpf olt, %add3A_353, %select_n3A_344 : vector<512x128xf32>
    %select_n3A_355 = arith.select %lt3A_354, %add3A_353, %select_n3A_344 : vector<512x128xi1>, vector<512x128xf32>
    %jit3A_356 = arith.constant 3.100000e+01 : f32
    %broadcast_in_dim3A_357 = vector.broadcast %jit3A_356 : f32 to vector<512x128xf32>
    %select_n3A_358 = arith.select %lt3A_354, %broadcast_in_dim3A_357, %select_n3A_347 : vector<512x128xi1>, vector<512x128xf32>
    %reduce_min3A = arith.constant dense<0x7F800000> : vector<512xf32>
    %reduce_min3A_359 = vector.multi_reduction <minimumf>, %select_n3A_355, %reduce_min3A [1] : vector<512x128xf32> to vector<512xf32>
    %broadcast_in_dim3A_360 = vector.shape_cast %reduce_min3A_359 : vector<512xf32> to vector<512x1xf32>
    %mul3A_361 = arith.constant 1.280000e+02 : f32
    %mul3A_362 = vector.broadcast %mul3A_361 : f32 to vector<512x128xf32>
    %mul3A_363 = arith.mulf %select_n3A_358, %mul3A_362 : vector<512x128xf32>
    %add3A_364 = vector.broadcast %get3A_15 : vector<1x128xf32> to vector<512x128xf32>
    %add3A_365 = arith.addf %mul3A_363, %add3A_364 : vector<512x128xf32>
    %eq3A = vector.broadcast %broadcast_in_dim3A_360 : vector<512x1xf32> to vector<512x128xf32>
    %eq3A_366 = arith.cmpf oeq, %select_n3A_355, %eq3A : vector<512x128xf32>
    %jit3A_367 = arith.constant 8.192000e+03 : f32
    %broadcast_in_dim3A_368 = vector.broadcast %jit3A_367 : f32 to vector<512x128xf32>
    %select_n3A_369 = arith.select %eq3A_366, %add3A_365, %broadcast_in_dim3A_368 : vector<512x128xi1>, vector<512x128xf32>
    %reduce_min3A_370 = arith.constant dense<0x7F800000> : vector<512xf32>
    %reduce_min3A_371 = vector.multi_reduction <minimumf>, %select_n3A_369, %reduce_min3A_370 [1] : vector<512x128xf32> to vector<512xf32>
    %broadcast_in_dim3A_372 = vector.shape_cast %reduce_min3A_371 : vector<512xf32> to vector<512x1xf32>
    %convert_element_type3A = arith.fptosi %broadcast_in_dim3A_372 : vector<512x1xf32> to vector<512x1xi32>
    %add3A_373 = arith.constant 0 : i32
    %add3A_374 = vector.broadcast %add3A_373 : i32 to vector<512x1xi32>
    %add3A_375 = arith.addi %convert_element_type3A, %add3A_374 : vector<512x1xi32>
    %slice3A_376 = vector.extract_strided_slice %dot_general3A_8 {offsets = [0, 4096], sizes = [512, 128], strides = [1, 1]} : vector<512x8192xf32> to vector<512x128xf32>
    %sub3A_377 = vector.broadcast %broadcast_in_dim3A : vector<512x1xf32> to vector<512x128xf32>
    %sub3A_378 = arith.subf %sub3A_377, %slice3A_376 : vector<512x128xf32>
    %slice3A_379 = vector.extract_strided_slice %get3A_12 {offsets = [0, 4096], sizes = [1, 128], strides = [1, 1]} : vector<1x8192xf32> to vector<1x128xf32>
    %add3A_380 = vector.broadcast %slice3A_379 : vector<1x128xf32> to vector<512x128xf32>
    %add3A_381 = arith.addf %sub3A_378, %add3A_380 : vector<512x128xf32>
    %broadcast_in_dim3A_382 = arith.constant 0.000000e+00 : f32
    %broadcast_in_dim3A_383 = vector.broadcast %broadcast_in_dim3A_382 : f32 to vector<512x128xf32>
    %slice3A_384 = vector.extract_strided_slice %dot_general3A_8 {offsets = [0, 4224], sizes = [512, 128], strides = [1, 1]} : vector<512x8192xf32> to vector<512x128xf32>
    %sub3A_385 = vector.broadcast %broadcast_in_dim3A : vector<512x1xf32> to vector<512x128xf32>
    %sub3A_386 = arith.subf %sub3A_385, %slice3A_384 : vector<512x128xf32>
    %slice3A_387 = vector.extract_strided_slice %get3A_12 {offsets = [0, 4224], sizes = [1, 128], strides = [1, 1]} : vector<1x8192xf32> to vector<1x128xf32>
    %add3A_388 = vector.broadcast %slice3A_387 : vector<1x128xf32> to vector<512x128xf32>
    %add3A_389 = arith.addf %sub3A_386, %add3A_388 : vector<512x128xf32>
    %lt3A_390 = arith.cmpf olt, %add3A_389, %add3A_381 : vector<512x128xf32>
    %select_n3A_391 = arith.select %lt3A_390, %add3A_389, %add3A_381 : vector<512x128xi1>, vector<512x128xf32>
    %jit3A_392 = arith.constant 1.000000e+00 : f32
    %broadcast_in_dim3A_393 = vector.broadcast %jit3A_392 : f32 to vector<512x128xf32>
    %select_n3A_394 = arith.select %lt3A_390, %broadcast_in_dim3A_393, %broadcast_in_dim3A_383 : vector<512x128xi1>, vector<512x128xf32>
    %slice3A_395 = vector.extract_strided_slice %dot_general3A_8 {offsets = [0, 4352], sizes = [512, 128], strides = [1, 1]} : vector<512x8192xf32> to vector<512x128xf32>
    %sub3A_396 = vector.broadcast %broadcast_in_dim3A : vector<512x1xf32> to vector<512x128xf32>
    %sub3A_397 = arith.subf %sub3A_396, %slice3A_395 : vector<512x128xf32>
    %slice3A_398 = vector.extract_strided_slice %get3A_12 {offsets = [0, 4352], sizes = [1, 128], strides = [1, 1]} : vector<1x8192xf32> to vector<1x128xf32>
    %add3A_399 = vector.broadcast %slice3A_398 : vector<1x128xf32> to vector<512x128xf32>
    %add3A_400 = arith.addf %sub3A_397, %add3A_399 : vector<512x128xf32>
    %lt3A_401 = arith.cmpf olt, %add3A_400, %select_n3A_391 : vector<512x128xf32>
    %select_n3A_402 = arith.select %lt3A_401, %add3A_400, %select_n3A_391 : vector<512x128xi1>, vector<512x128xf32>
    %jit3A_403 = arith.constant 2.000000e+00 : f32
    %broadcast_in_dim3A_404 = vector.broadcast %jit3A_403 : f32 to vector<512x128xf32>
    %select_n3A_405 = arith.select %lt3A_401, %broadcast_in_dim3A_404, %select_n3A_394 : vector<512x128xi1>, vector<512x128xf32>
    %slice3A_406 = vector.extract_strided_slice %dot_general3A_8 {offsets = [0, 4480], sizes = [512, 128], strides = [1, 1]} : vector<512x8192xf32> to vector<512x128xf32>
    %sub3A_407 = vector.broadcast %broadcast_in_dim3A : vector<512x1xf32> to vector<512x128xf32>
    %sub3A_408 = arith.subf %sub3A_407, %slice3A_406 : vector<512x128xf32>
    %slice3A_409 = vector.extract_strided_slice %get3A_12 {offsets = [0, 4480], sizes = [1, 128], strides = [1, 1]} : vector<1x8192xf32> to vector<1x128xf32>
    %add3A_410 = vector.broadcast %slice3A_409 : vector<1x128xf32> to vector<512x128xf32>
    %add3A_411 = arith.addf %sub3A_408, %add3A_410 : vector<512x128xf32>
    %lt3A_412 = arith.cmpf olt, %add3A_411, %select_n3A_402 : vector<512x128xf32>
    %select_n3A_413 = arith.select %lt3A_412, %add3A_411, %select_n3A_402 : vector<512x128xi1>, vector<512x128xf32>
    %jit3A_414 = arith.constant 3.000000e+00 : f32
    %broadcast_in_dim3A_415 = vector.broadcast %jit3A_414 : f32 to vector<512x128xf32>
    %select_n3A_416 = arith.select %lt3A_412, %broadcast_in_dim3A_415, %select_n3A_405 : vector<512x128xi1>, vector<512x128xf32>
    %slice3A_417 = vector.extract_strided_slice %dot_general3A_8 {offsets = [0, 4608], sizes = [512, 128], strides = [1, 1]} : vector<512x8192xf32> to vector<512x128xf32>
    %sub3A_418 = vector.broadcast %broadcast_in_dim3A : vector<512x1xf32> to vector<512x128xf32>
    %sub3A_419 = arith.subf %sub3A_418, %slice3A_417 : vector<512x128xf32>
    %slice3A_420 = vector.extract_strided_slice %get3A_12 {offsets = [0, 4608], sizes = [1, 128], strides = [1, 1]} : vector<1x8192xf32> to vector<1x128xf32>
    %add3A_421 = vector.broadcast %slice3A_420 : vector<1x128xf32> to vector<512x128xf32>
    %add3A_422 = arith.addf %sub3A_419, %add3A_421 : vector<512x128xf32>
    %lt3A_423 = arith.cmpf olt, %add3A_422, %select_n3A_413 : vector<512x128xf32>
    %select_n3A_424 = arith.select %lt3A_423, %add3A_422, %select_n3A_413 : vector<512x128xi1>, vector<512x128xf32>
    %jit3A_425 = arith.constant 4.000000e+00 : f32
    %broadcast_in_dim3A_426 = vector.broadcast %jit3A_425 : f32 to vector<512x128xf32>
    %select_n3A_427 = arith.select %lt3A_423, %broadcast_in_dim3A_426, %select_n3A_416 : vector<512x128xi1>, vector<512x128xf32>
    %slice3A_428 = vector.extract_strided_slice %dot_general3A_8 {offsets = [0, 4736], sizes = [512, 128], strides = [1, 1]} : vector<512x8192xf32> to vector<512x128xf32>
    %sub3A_429 = vector.broadcast %broadcast_in_dim3A : vector<512x1xf32> to vector<512x128xf32>
    %sub3A_430 = arith.subf %sub3A_429, %slice3A_428 : vector<512x128xf32>
    %slice3A_431 = vector.extract_strided_slice %get3A_12 {offsets = [0, 4736], sizes = [1, 128], strides = [1, 1]} : vector<1x8192xf32> to vector<1x128xf32>
    %add3A_432 = vector.broadcast %slice3A_431 : vector<1x128xf32> to vector<512x128xf32>
    %add3A_433 = arith.addf %sub3A_430, %add3A_432 : vector<512x128xf32>
    %lt3A_434 = arith.cmpf olt, %add3A_433, %select_n3A_424 : vector<512x128xf32>
    %select_n3A_435 = arith.select %lt3A_434, %add3A_433, %select_n3A_424 : vector<512x128xi1>, vector<512x128xf32>
    %jit3A_436 = arith.constant 5.000000e+00 : f32
    %broadcast_in_dim3A_437 = vector.broadcast %jit3A_436 : f32 to vector<512x128xf32>
    %select_n3A_438 = arith.select %lt3A_434, %broadcast_in_dim3A_437, %select_n3A_427 : vector<512x128xi1>, vector<512x128xf32>
    %slice3A_439 = vector.extract_strided_slice %dot_general3A_8 {offsets = [0, 4864], sizes = [512, 128], strides = [1, 1]} : vector<512x8192xf32> to vector<512x128xf32>
    %sub3A_440 = vector.broadcast %broadcast_in_dim3A : vector<512x1xf32> to vector<512x128xf32>
    %sub3A_441 = arith.subf %sub3A_440, %slice3A_439 : vector<512x128xf32>
    %slice3A_442 = vector.extract_strided_slice %get3A_12 {offsets = [0, 4864], sizes = [1, 128], strides = [1, 1]} : vector<1x8192xf32> to vector<1x128xf32>
    %add3A_443 = vector.broadcast %slice3A_442 : vector<1x128xf32> to vector<512x128xf32>
    %add3A_444 = arith.addf %sub3A_441, %add3A_443 : vector<512x128xf32>
    %lt3A_445 = arith.cmpf olt, %add3A_444, %select_n3A_435 : vector<512x128xf32>
    %select_n3A_446 = arith.select %lt3A_445, %add3A_444, %select_n3A_435 : vector<512x128xi1>, vector<512x128xf32>
    %jit3A_447 = arith.constant 6.000000e+00 : f32
    %broadcast_in_dim3A_448 = vector.broadcast %jit3A_447 : f32 to vector<512x128xf32>
    %select_n3A_449 = arith.select %lt3A_445, %broadcast_in_dim3A_448, %select_n3A_438 : vector<512x128xi1>, vector<512x128xf32>
    %slice3A_450 = vector.extract_strided_slice %dot_general3A_8 {offsets = [0, 4992], sizes = [512, 128], strides = [1, 1]} : vector<512x8192xf32> to vector<512x128xf32>
    %sub3A_451 = vector.broadcast %broadcast_in_dim3A : vector<512x1xf32> to vector<512x128xf32>
    %sub3A_452 = arith.subf %sub3A_451, %slice3A_450 : vector<512x128xf32>
    %slice3A_453 = vector.extract_strided_slice %get3A_12 {offsets = [0, 4992], sizes = [1, 128], strides = [1, 1]} : vector<1x8192xf32> to vector<1x128xf32>
    %add3A_454 = vector.broadcast %slice3A_453 : vector<1x128xf32> to vector<512x128xf32>
    %add3A_455 = arith.addf %sub3A_452, %add3A_454 : vector<512x128xf32>
    %lt3A_456 = arith.cmpf olt, %add3A_455, %select_n3A_446 : vector<512x128xf32>
    %select_n3A_457 = arith.select %lt3A_456, %add3A_455, %select_n3A_446 : vector<512x128xi1>, vector<512x128xf32>
    %jit3A_458 = arith.constant 7.000000e+00 : f32
    %broadcast_in_dim3A_459 = vector.broadcast %jit3A_458 : f32 to vector<512x128xf32>
    %select_n3A_460 = arith.select %lt3A_456, %broadcast_in_dim3A_459, %select_n3A_449 : vector<512x128xi1>, vector<512x128xf32>
    %slice3A_461 = vector.extract_strided_slice %dot_general3A_8 {offsets = [0, 5120], sizes = [512, 128], strides = [1, 1]} : vector<512x8192xf32> to vector<512x128xf32>
    %sub3A_462 = vector.broadcast %broadcast_in_dim3A : vector<512x1xf32> to vector<512x128xf32>
    %sub3A_463 = arith.subf %sub3A_462, %slice3A_461 : vector<512x128xf32>
    %slice3A_464 = vector.extract_strided_slice %get3A_12 {offsets = [0, 5120], sizes = [1, 128], strides = [1, 1]} : vector<1x8192xf32> to vector<1x128xf32>
    %add3A_465 = vector.broadcast %slice3A_464 : vector<1x128xf32> to vector<512x128xf32>
    %add3A_466 = arith.addf %sub3A_463, %add3A_465 : vector<512x128xf32>
    %lt3A_467 = arith.cmpf olt, %add3A_466, %select_n3A_457 : vector<512x128xf32>
    %select_n3A_468 = arith.select %lt3A_467, %add3A_466, %select_n3A_457 : vector<512x128xi1>, vector<512x128xf32>
    %jit3A_469 = arith.constant 8.000000e+00 : f32
    %broadcast_in_dim3A_470 = vector.broadcast %jit3A_469 : f32 to vector<512x128xf32>
    %select_n3A_471 = arith.select %lt3A_467, %broadcast_in_dim3A_470, %select_n3A_460 : vector<512x128xi1>, vector<512x128xf32>
    %slice3A_472 = vector.extract_strided_slice %dot_general3A_8 {offsets = [0, 5248], sizes = [512, 128], strides = [1, 1]} : vector<512x8192xf32> to vector<512x128xf32>
    %sub3A_473 = vector.broadcast %broadcast_in_dim3A : vector<512x1xf32> to vector<512x128xf32>
    %sub3A_474 = arith.subf %sub3A_473, %slice3A_472 : vector<512x128xf32>
    %slice3A_475 = vector.extract_strided_slice %get3A_12 {offsets = [0, 5248], sizes = [1, 128], strides = [1, 1]} : vector<1x8192xf32> to vector<1x128xf32>
    %add3A_476 = vector.broadcast %slice3A_475 : vector<1x128xf32> to vector<512x128xf32>
    %add3A_477 = arith.addf %sub3A_474, %add3A_476 : vector<512x128xf32>
    %lt3A_478 = arith.cmpf olt, %add3A_477, %select_n3A_468 : vector<512x128xf32>
    %select_n3A_479 = arith.select %lt3A_478, %add3A_477, %select_n3A_468 : vector<512x128xi1>, vector<512x128xf32>
    %jit3A_480 = arith.constant 9.000000e+00 : f32
    %broadcast_in_dim3A_481 = vector.broadcast %jit3A_480 : f32 to vector<512x128xf32>
    %select_n3A_482 = arith.select %lt3A_478, %broadcast_in_dim3A_481, %select_n3A_471 : vector<512x128xi1>, vector<512x128xf32>
    %slice3A_483 = vector.extract_strided_slice %dot_general3A_8 {offsets = [0, 5376], sizes = [512, 128], strides = [1, 1]} : vector<512x8192xf32> to vector<512x128xf32>
    %sub3A_484 = vector.broadcast %broadcast_in_dim3A : vector<512x1xf32> to vector<512x128xf32>
    %sub3A_485 = arith.subf %sub3A_484, %slice3A_483 : vector<512x128xf32>
    %slice3A_486 = vector.extract_strided_slice %get3A_12 {offsets = [0, 5376], sizes = [1, 128], strides = [1, 1]} : vector<1x8192xf32> to vector<1x128xf32>
    %add3A_487 = vector.broadcast %slice3A_486 : vector<1x128xf32> to vector<512x128xf32>
    %add3A_488 = arith.addf %sub3A_485, %add3A_487 : vector<512x128xf32>
    %lt3A_489 = arith.cmpf olt, %add3A_488, %select_n3A_479 : vector<512x128xf32>
    %select_n3A_490 = arith.select %lt3A_489, %add3A_488, %select_n3A_479 : vector<512x128xi1>, vector<512x128xf32>
    %jit3A_491 = arith.constant 1.000000e+01 : f32
    %broadcast_in_dim3A_492 = vector.broadcast %jit3A_491 : f32 to vector<512x128xf32>
    %select_n3A_493 = arith.select %lt3A_489, %broadcast_in_dim3A_492, %select_n3A_482 : vector<512x128xi1>, vector<512x128xf32>
    %slice3A_494 = vector.extract_strided_slice %dot_general3A_8 {offsets = [0, 5504], sizes = [512, 128], strides = [1, 1]} : vector<512x8192xf32> to vector<512x128xf32>
    %sub3A_495 = vector.broadcast %broadcast_in_dim3A : vector<512x1xf32> to vector<512x128xf32>
    %sub3A_496 = arith.subf %sub3A_495, %slice3A_494 : vector<512x128xf32>
    %slice3A_497 = vector.extract_strided_slice %get3A_12 {offsets = [0, 5504], sizes = [1, 128], strides = [1, 1]} : vector<1x8192xf32> to vector<1x128xf32>
    %add3A_498 = vector.broadcast %slice3A_497 : vector<1x128xf32> to vector<512x128xf32>
    %add3A_499 = arith.addf %sub3A_496, %add3A_498 : vector<512x128xf32>
    %lt3A_500 = arith.cmpf olt, %add3A_499, %select_n3A_490 : vector<512x128xf32>
    %select_n3A_501 = arith.select %lt3A_500, %add3A_499, %select_n3A_490 : vector<512x128xi1>, vector<512x128xf32>
    %jit3A_502 = arith.constant 1.100000e+01 : f32
    %broadcast_in_dim3A_503 = vector.broadcast %jit3A_502 : f32 to vector<512x128xf32>
    %select_n3A_504 = arith.select %lt3A_500, %broadcast_in_dim3A_503, %select_n3A_493 : vector<512x128xi1>, vector<512x128xf32>
    %slice3A_505 = vector.extract_strided_slice %dot_general3A_8 {offsets = [0, 5632], sizes = [512, 128], strides = [1, 1]} : vector<512x8192xf32> to vector<512x128xf32>
    %sub3A_506 = vector.broadcast %broadcast_in_dim3A : vector<512x1xf32> to vector<512x128xf32>
    %sub3A_507 = arith.subf %sub3A_506, %slice3A_505 : vector<512x128xf32>
    %slice3A_508 = vector.extract_strided_slice %get3A_12 {offsets = [0, 5632], sizes = [1, 128], strides = [1, 1]} : vector<1x8192xf32> to vector<1x128xf32>
    %add3A_509 = vector.broadcast %slice3A_508 : vector<1x128xf32> to vector<512x128xf32>
    %add3A_510 = arith.addf %sub3A_507, %add3A_509 : vector<512x128xf32>
    %lt3A_511 = arith.cmpf olt, %add3A_510, %select_n3A_501 : vector<512x128xf32>
    %select_n3A_512 = arith.select %lt3A_511, %add3A_510, %select_n3A_501 : vector<512x128xi1>, vector<512x128xf32>
    %jit3A_513 = arith.constant 1.200000e+01 : f32
    %broadcast_in_dim3A_514 = vector.broadcast %jit3A_513 : f32 to vector<512x128xf32>
    %select_n3A_515 = arith.select %lt3A_511, %broadcast_in_dim3A_514, %select_n3A_504 : vector<512x128xi1>, vector<512x128xf32>
    %slice3A_516 = vector.extract_strided_slice %dot_general3A_8 {offsets = [0, 5760], sizes = [512, 128], strides = [1, 1]} : vector<512x8192xf32> to vector<512x128xf32>
    %sub3A_517 = vector.broadcast %broadcast_in_dim3A : vector<512x1xf32> to vector<512x128xf32>
    %sub3A_518 = arith.subf %sub3A_517, %slice3A_516 : vector<512x128xf32>
    %slice3A_519 = vector.extract_strided_slice %get3A_12 {offsets = [0, 5760], sizes = [1, 128], strides = [1, 1]} : vector<1x8192xf32> to vector<1x128xf32>
    %add3A_520 = vector.broadcast %slice3A_519 : vector<1x128xf32> to vector<512x128xf32>
    %add3A_521 = arith.addf %sub3A_518, %add3A_520 : vector<512x128xf32>
    %lt3A_522 = arith.cmpf olt, %add3A_521, %select_n3A_512 : vector<512x128xf32>
    %select_n3A_523 = arith.select %lt3A_522, %add3A_521, %select_n3A_512 : vector<512x128xi1>, vector<512x128xf32>
    %jit3A_524 = arith.constant 1.300000e+01 : f32
    %broadcast_in_dim3A_525 = vector.broadcast %jit3A_524 : f32 to vector<512x128xf32>
    %select_n3A_526 = arith.select %lt3A_522, %broadcast_in_dim3A_525, %select_n3A_515 : vector<512x128xi1>, vector<512x128xf32>
    %slice3A_527 = vector.extract_strided_slice %dot_general3A_8 {offsets = [0, 5888], sizes = [512, 128], strides = [1, 1]} : vector<512x8192xf32> to vector<512x128xf32>
    %sub3A_528 = vector.broadcast %broadcast_in_dim3A : vector<512x1xf32> to vector<512x128xf32>
    %sub3A_529 = arith.subf %sub3A_528, %slice3A_527 : vector<512x128xf32>
    %slice3A_530 = vector.extract_strided_slice %get3A_12 {offsets = [0, 5888], sizes = [1, 128], strides = [1, 1]} : vector<1x8192xf32> to vector<1x128xf32>
    %add3A_531 = vector.broadcast %slice3A_530 : vector<1x128xf32> to vector<512x128xf32>
    %add3A_532 = arith.addf %sub3A_529, %add3A_531 : vector<512x128xf32>
    %lt3A_533 = arith.cmpf olt, %add3A_532, %select_n3A_523 : vector<512x128xf32>
    %select_n3A_534 = arith.select %lt3A_533, %add3A_532, %select_n3A_523 : vector<512x128xi1>, vector<512x128xf32>
    %jit3A_535 = arith.constant 1.400000e+01 : f32
    %broadcast_in_dim3A_536 = vector.broadcast %jit3A_535 : f32 to vector<512x128xf32>
    %select_n3A_537 = arith.select %lt3A_533, %broadcast_in_dim3A_536, %select_n3A_526 : vector<512x128xi1>, vector<512x128xf32>
    %slice3A_538 = vector.extract_strided_slice %dot_general3A_8 {offsets = [0, 6016], sizes = [512, 128], strides = [1, 1]} : vector<512x8192xf32> to vector<512x128xf32>
    %sub3A_539 = vector.broadcast %broadcast_in_dim3A : vector<512x1xf32> to vector<512x128xf32>
    %sub3A_540 = arith.subf %sub3A_539, %slice3A_538 : vector<512x128xf32>
    %slice3A_541 = vector.extract_strided_slice %get3A_12 {offsets = [0, 6016], sizes = [1, 128], strides = [1, 1]} : vector<1x8192xf32> to vector<1x128xf32>
    %add3A_542 = vector.broadcast %slice3A_541 : vector<1x128xf32> to vector<512x128xf32>
    %add3A_543 = arith.addf %sub3A_540, %add3A_542 : vector<512x128xf32>
    %lt3A_544 = arith.cmpf olt, %add3A_543, %select_n3A_534 : vector<512x128xf32>
    %select_n3A_545 = arith.select %lt3A_544, %add3A_543, %select_n3A_534 : vector<512x128xi1>, vector<512x128xf32>
    %jit3A_546 = arith.constant 1.500000e+01 : f32
    %broadcast_in_dim3A_547 = vector.broadcast %jit3A_546 : f32 to vector<512x128xf32>
    %select_n3A_548 = arith.select %lt3A_544, %broadcast_in_dim3A_547, %select_n3A_537 : vector<512x128xi1>, vector<512x128xf32>
    %slice3A_549 = vector.extract_strided_slice %dot_general3A_8 {offsets = [0, 6144], sizes = [512, 128], strides = [1, 1]} : vector<512x8192xf32> to vector<512x128xf32>
    %sub3A_550 = vector.broadcast %broadcast_in_dim3A : vector<512x1xf32> to vector<512x128xf32>
    %sub3A_551 = arith.subf %sub3A_550, %slice3A_549 : vector<512x128xf32>
    %slice3A_552 = vector.extract_strided_slice %get3A_12 {offsets = [0, 6144], sizes = [1, 128], strides = [1, 1]} : vector<1x8192xf32> to vector<1x128xf32>
    %add3A_553 = vector.broadcast %slice3A_552 : vector<1x128xf32> to vector<512x128xf32>
    %add3A_554 = arith.addf %sub3A_551, %add3A_553 : vector<512x128xf32>
    %lt3A_555 = arith.cmpf olt, %add3A_554, %select_n3A_545 : vector<512x128xf32>
    %select_n3A_556 = arith.select %lt3A_555, %add3A_554, %select_n3A_545 : vector<512x128xi1>, vector<512x128xf32>
    %jit3A_557 = arith.constant 1.600000e+01 : f32
    %broadcast_in_dim3A_558 = vector.broadcast %jit3A_557 : f32 to vector<512x128xf32>
    %select_n3A_559 = arith.select %lt3A_555, %broadcast_in_dim3A_558, %select_n3A_548 : vector<512x128xi1>, vector<512x128xf32>
    %slice3A_560 = vector.extract_strided_slice %dot_general3A_8 {offsets = [0, 6272], sizes = [512, 128], strides = [1, 1]} : vector<512x8192xf32> to vector<512x128xf32>
    %sub3A_561 = vector.broadcast %broadcast_in_dim3A : vector<512x1xf32> to vector<512x128xf32>
    %sub3A_562 = arith.subf %sub3A_561, %slice3A_560 : vector<512x128xf32>
    %slice3A_563 = vector.extract_strided_slice %get3A_12 {offsets = [0, 6272], sizes = [1, 128], strides = [1, 1]} : vector<1x8192xf32> to vector<1x128xf32>
    %add3A_564 = vector.broadcast %slice3A_563 : vector<1x128xf32> to vector<512x128xf32>
    %add3A_565 = arith.addf %sub3A_562, %add3A_564 : vector<512x128xf32>
    %lt3A_566 = arith.cmpf olt, %add3A_565, %select_n3A_556 : vector<512x128xf32>
    %select_n3A_567 = arith.select %lt3A_566, %add3A_565, %select_n3A_556 : vector<512x128xi1>, vector<512x128xf32>
    %jit3A_568 = arith.constant 1.700000e+01 : f32
    %broadcast_in_dim3A_569 = vector.broadcast %jit3A_568 : f32 to vector<512x128xf32>
    %select_n3A_570 = arith.select %lt3A_566, %broadcast_in_dim3A_569, %select_n3A_559 : vector<512x128xi1>, vector<512x128xf32>
    %slice3A_571 = vector.extract_strided_slice %dot_general3A_8 {offsets = [0, 6400], sizes = [512, 128], strides = [1, 1]} : vector<512x8192xf32> to vector<512x128xf32>
    %sub3A_572 = vector.broadcast %broadcast_in_dim3A : vector<512x1xf32> to vector<512x128xf32>
    %sub3A_573 = arith.subf %sub3A_572, %slice3A_571 : vector<512x128xf32>
    %slice3A_574 = vector.extract_strided_slice %get3A_12 {offsets = [0, 6400], sizes = [1, 128], strides = [1, 1]} : vector<1x8192xf32> to vector<1x128xf32>
    %add3A_575 = vector.broadcast %slice3A_574 : vector<1x128xf32> to vector<512x128xf32>
    %add3A_576 = arith.addf %sub3A_573, %add3A_575 : vector<512x128xf32>
    %lt3A_577 = arith.cmpf olt, %add3A_576, %select_n3A_567 : vector<512x128xf32>
    %select_n3A_578 = arith.select %lt3A_577, %add3A_576, %select_n3A_567 : vector<512x128xi1>, vector<512x128xf32>
    %jit3A_579 = arith.constant 1.800000e+01 : f32
    %broadcast_in_dim3A_580 = vector.broadcast %jit3A_579 : f32 to vector<512x128xf32>
    %select_n3A_581 = arith.select %lt3A_577, %broadcast_in_dim3A_580, %select_n3A_570 : vector<512x128xi1>, vector<512x128xf32>
    %slice3A_582 = vector.extract_strided_slice %dot_general3A_8 {offsets = [0, 6528], sizes = [512, 128], strides = [1, 1]} : vector<512x8192xf32> to vector<512x128xf32>
    %sub3A_583 = vector.broadcast %broadcast_in_dim3A : vector<512x1xf32> to vector<512x128xf32>
    %sub3A_584 = arith.subf %sub3A_583, %slice3A_582 : vector<512x128xf32>
    %slice3A_585 = vector.extract_strided_slice %get3A_12 {offsets = [0, 6528], sizes = [1, 128], strides = [1, 1]} : vector<1x8192xf32> to vector<1x128xf32>
    %add3A_586 = vector.broadcast %slice3A_585 : vector<1x128xf32> to vector<512x128xf32>
    %add3A_587 = arith.addf %sub3A_584, %add3A_586 : vector<512x128xf32>
    %lt3A_588 = arith.cmpf olt, %add3A_587, %select_n3A_578 : vector<512x128xf32>
    %select_n3A_589 = arith.select %lt3A_588, %add3A_587, %select_n3A_578 : vector<512x128xi1>, vector<512x128xf32>
    %jit3A_590 = arith.constant 1.900000e+01 : f32
    %broadcast_in_dim3A_591 = vector.broadcast %jit3A_590 : f32 to vector<512x128xf32>
    %select_n3A_592 = arith.select %lt3A_588, %broadcast_in_dim3A_591, %select_n3A_581 : vector<512x128xi1>, vector<512x128xf32>
    %slice3A_593 = vector.extract_strided_slice %dot_general3A_8 {offsets = [0, 6656], sizes = [512, 128], strides = [1, 1]} : vector<512x8192xf32> to vector<512x128xf32>
    %sub3A_594 = vector.broadcast %broadcast_in_dim3A : vector<512x1xf32> to vector<512x128xf32>
    %sub3A_595 = arith.subf %sub3A_594, %slice3A_593 : vector<512x128xf32>
    %slice3A_596 = vector.extract_strided_slice %get3A_12 {offsets = [0, 6656], sizes = [1, 128], strides = [1, 1]} : vector<1x8192xf32> to vector<1x128xf32>
    %add3A_597 = vector.broadcast %slice3A_596 : vector<1x128xf32> to vector<512x128xf32>
    %add3A_598 = arith.addf %sub3A_595, %add3A_597 : vector<512x128xf32>
    %lt3A_599 = arith.cmpf olt, %add3A_598, %select_n3A_589 : vector<512x128xf32>
    %select_n3A_600 = arith.select %lt3A_599, %add3A_598, %select_n3A_589 : vector<512x128xi1>, vector<512x128xf32>
    %jit3A_601 = arith.constant 2.000000e+01 : f32
    %broadcast_in_dim3A_602 = vector.broadcast %jit3A_601 : f32 to vector<512x128xf32>
    %select_n3A_603 = arith.select %lt3A_599, %broadcast_in_dim3A_602, %select_n3A_592 : vector<512x128xi1>, vector<512x128xf32>
    %slice3A_604 = vector.extract_strided_slice %dot_general3A_8 {offsets = [0, 6784], sizes = [512, 128], strides = [1, 1]} : vector<512x8192xf32> to vector<512x128xf32>
    %sub3A_605 = vector.broadcast %broadcast_in_dim3A : vector<512x1xf32> to vector<512x128xf32>
    %sub3A_606 = arith.subf %sub3A_605, %slice3A_604 : vector<512x128xf32>
    %slice3A_607 = vector.extract_strided_slice %get3A_12 {offsets = [0, 6784], sizes = [1, 128], strides = [1, 1]} : vector<1x8192xf32> to vector<1x128xf32>
    %add3A_608 = vector.broadcast %slice3A_607 : vector<1x128xf32> to vector<512x128xf32>
    %add3A_609 = arith.addf %sub3A_606, %add3A_608 : vector<512x128xf32>
    %lt3A_610 = arith.cmpf olt, %add3A_609, %select_n3A_600 : vector<512x128xf32>
    %select_n3A_611 = arith.select %lt3A_610, %add3A_609, %select_n3A_600 : vector<512x128xi1>, vector<512x128xf32>
    %jit3A_612 = arith.constant 2.100000e+01 : f32
    %broadcast_in_dim3A_613 = vector.broadcast %jit3A_612 : f32 to vector<512x128xf32>
    %select_n3A_614 = arith.select %lt3A_610, %broadcast_in_dim3A_613, %select_n3A_603 : vector<512x128xi1>, vector<512x128xf32>
    %slice3A_615 = vector.extract_strided_slice %dot_general3A_8 {offsets = [0, 6912], sizes = [512, 128], strides = [1, 1]} : vector<512x8192xf32> to vector<512x128xf32>
    %sub3A_616 = vector.broadcast %broadcast_in_dim3A : vector<512x1xf32> to vector<512x128xf32>
    %sub3A_617 = arith.subf %sub3A_616, %slice3A_615 : vector<512x128xf32>
    %slice3A_618 = vector.extract_strided_slice %get3A_12 {offsets = [0, 6912], sizes = [1, 128], strides = [1, 1]} : vector<1x8192xf32> to vector<1x128xf32>
    %add3A_619 = vector.broadcast %slice3A_618 : vector<1x128xf32> to vector<512x128xf32>
    %add3A_620 = arith.addf %sub3A_617, %add3A_619 : vector<512x128xf32>
    %lt3A_621 = arith.cmpf olt, %add3A_620, %select_n3A_611 : vector<512x128xf32>
    %select_n3A_622 = arith.select %lt3A_621, %add3A_620, %select_n3A_611 : vector<512x128xi1>, vector<512x128xf32>
    %jit3A_623 = arith.constant 2.200000e+01 : f32
    %broadcast_in_dim3A_624 = vector.broadcast %jit3A_623 : f32 to vector<512x128xf32>
    %select_n3A_625 = arith.select %lt3A_621, %broadcast_in_dim3A_624, %select_n3A_614 : vector<512x128xi1>, vector<512x128xf32>
    %slice3A_626 = vector.extract_strided_slice %dot_general3A_8 {offsets = [0, 7040], sizes = [512, 128], strides = [1, 1]} : vector<512x8192xf32> to vector<512x128xf32>
    %sub3A_627 = vector.broadcast %broadcast_in_dim3A : vector<512x1xf32> to vector<512x128xf32>
    %sub3A_628 = arith.subf %sub3A_627, %slice3A_626 : vector<512x128xf32>
    %slice3A_629 = vector.extract_strided_slice %get3A_12 {offsets = [0, 7040], sizes = [1, 128], strides = [1, 1]} : vector<1x8192xf32> to vector<1x128xf32>
    %add3A_630 = vector.broadcast %slice3A_629 : vector<1x128xf32> to vector<512x128xf32>
    %add3A_631 = arith.addf %sub3A_628, %add3A_630 : vector<512x128xf32>
    %lt3A_632 = arith.cmpf olt, %add3A_631, %select_n3A_622 : vector<512x128xf32>
    %select_n3A_633 = arith.select %lt3A_632, %add3A_631, %select_n3A_622 : vector<512x128xi1>, vector<512x128xf32>
    %jit3A_634 = arith.constant 2.300000e+01 : f32
    %broadcast_in_dim3A_635 = vector.broadcast %jit3A_634 : f32 to vector<512x128xf32>
    %select_n3A_636 = arith.select %lt3A_632, %broadcast_in_dim3A_635, %select_n3A_625 : vector<512x128xi1>, vector<512x128xf32>
    %slice3A_637 = vector.extract_strided_slice %dot_general3A_8 {offsets = [0, 7168], sizes = [512, 128], strides = [1, 1]} : vector<512x8192xf32> to vector<512x128xf32>
    %sub3A_638 = vector.broadcast %broadcast_in_dim3A : vector<512x1xf32> to vector<512x128xf32>
    %sub3A_639 = arith.subf %sub3A_638, %slice3A_637 : vector<512x128xf32>
    %slice3A_640 = vector.extract_strided_slice %get3A_12 {offsets = [0, 7168], sizes = [1, 128], strides = [1, 1]} : vector<1x8192xf32> to vector<1x128xf32>
    %add3A_641 = vector.broadcast %slice3A_640 : vector<1x128xf32> to vector<512x128xf32>
    %add3A_642 = arith.addf %sub3A_639, %add3A_641 : vector<512x128xf32>
    %lt3A_643 = arith.cmpf olt, %add3A_642, %select_n3A_633 : vector<512x128xf32>
    %select_n3A_644 = arith.select %lt3A_643, %add3A_642, %select_n3A_633 : vector<512x128xi1>, vector<512x128xf32>
    %jit3A_645 = arith.constant 2.400000e+01 : f32
    %broadcast_in_dim3A_646 = vector.broadcast %jit3A_645 : f32 to vector<512x128xf32>
    %select_n3A_647 = arith.select %lt3A_643, %broadcast_in_dim3A_646, %select_n3A_636 : vector<512x128xi1>, vector<512x128xf32>
    %slice3A_648 = vector.extract_strided_slice %dot_general3A_8 {offsets = [0, 7296], sizes = [512, 128], strides = [1, 1]} : vector<512x8192xf32> to vector<512x128xf32>
    %sub3A_649 = vector.broadcast %broadcast_in_dim3A : vector<512x1xf32> to vector<512x128xf32>
    %sub3A_650 = arith.subf %sub3A_649, %slice3A_648 : vector<512x128xf32>
    %slice3A_651 = vector.extract_strided_slice %get3A_12 {offsets = [0, 7296], sizes = [1, 128], strides = [1, 1]} : vector<1x8192xf32> to vector<1x128xf32>
    %add3A_652 = vector.broadcast %slice3A_651 : vector<1x128xf32> to vector<512x128xf32>
    %add3A_653 = arith.addf %sub3A_650, %add3A_652 : vector<512x128xf32>
    %lt3A_654 = arith.cmpf olt, %add3A_653, %select_n3A_644 : vector<512x128xf32>
    %select_n3A_655 = arith.select %lt3A_654, %add3A_653, %select_n3A_644 : vector<512x128xi1>, vector<512x128xf32>
    %jit3A_656 = arith.constant 2.500000e+01 : f32
    %broadcast_in_dim3A_657 = vector.broadcast %jit3A_656 : f32 to vector<512x128xf32>
    %select_n3A_658 = arith.select %lt3A_654, %broadcast_in_dim3A_657, %select_n3A_647 : vector<512x128xi1>, vector<512x128xf32>
    %slice3A_659 = vector.extract_strided_slice %dot_general3A_8 {offsets = [0, 7424], sizes = [512, 128], strides = [1, 1]} : vector<512x8192xf32> to vector<512x128xf32>
    %sub3A_660 = vector.broadcast %broadcast_in_dim3A : vector<512x1xf32> to vector<512x128xf32>
    %sub3A_661 = arith.subf %sub3A_660, %slice3A_659 : vector<512x128xf32>
    %slice3A_662 = vector.extract_strided_slice %get3A_12 {offsets = [0, 7424], sizes = [1, 128], strides = [1, 1]} : vector<1x8192xf32> to vector<1x128xf32>
    %add3A_663 = vector.broadcast %slice3A_662 : vector<1x128xf32> to vector<512x128xf32>
    %add3A_664 = arith.addf %sub3A_661, %add3A_663 : vector<512x128xf32>
    %lt3A_665 = arith.cmpf olt, %add3A_664, %select_n3A_655 : vector<512x128xf32>
    %select_n3A_666 = arith.select %lt3A_665, %add3A_664, %select_n3A_655 : vector<512x128xi1>, vector<512x128xf32>
    %jit3A_667 = arith.constant 2.600000e+01 : f32
    %broadcast_in_dim3A_668 = vector.broadcast %jit3A_667 : f32 to vector<512x128xf32>
    %select_n3A_669 = arith.select %lt3A_665, %broadcast_in_dim3A_668, %select_n3A_658 : vector<512x128xi1>, vector<512x128xf32>
    %slice3A_670 = vector.extract_strided_slice %dot_general3A_8 {offsets = [0, 7552], sizes = [512, 128], strides = [1, 1]} : vector<512x8192xf32> to vector<512x128xf32>
    %sub3A_671 = vector.broadcast %broadcast_in_dim3A : vector<512x1xf32> to vector<512x128xf32>
    %sub3A_672 = arith.subf %sub3A_671, %slice3A_670 : vector<512x128xf32>
    %slice3A_673 = vector.extract_strided_slice %get3A_12 {offsets = [0, 7552], sizes = [1, 128], strides = [1, 1]} : vector<1x8192xf32> to vector<1x128xf32>
    %add3A_674 = vector.broadcast %slice3A_673 : vector<1x128xf32> to vector<512x128xf32>
    %add3A_675 = arith.addf %sub3A_672, %add3A_674 : vector<512x128xf32>
    %lt3A_676 = arith.cmpf olt, %add3A_675, %select_n3A_666 : vector<512x128xf32>
    %select_n3A_677 = arith.select %lt3A_676, %add3A_675, %select_n3A_666 : vector<512x128xi1>, vector<512x128xf32>
    %jit3A_678 = arith.constant 2.700000e+01 : f32
    %broadcast_in_dim3A_679 = vector.broadcast %jit3A_678 : f32 to vector<512x128xf32>
    %select_n3A_680 = arith.select %lt3A_676, %broadcast_in_dim3A_679, %select_n3A_669 : vector<512x128xi1>, vector<512x128xf32>
    %slice3A_681 = vector.extract_strided_slice %dot_general3A_8 {offsets = [0, 7680], sizes = [512, 128], strides = [1, 1]} : vector<512x8192xf32> to vector<512x128xf32>
    %sub3A_682 = vector.broadcast %broadcast_in_dim3A : vector<512x1xf32> to vector<512x128xf32>
    %sub3A_683 = arith.subf %sub3A_682, %slice3A_681 : vector<512x128xf32>
    %slice3A_684 = vector.extract_strided_slice %get3A_12 {offsets = [0, 7680], sizes = [1, 128], strides = [1, 1]} : vector<1x8192xf32> to vector<1x128xf32>
    %add3A_685 = vector.broadcast %slice3A_684 : vector<1x128xf32> to vector<512x128xf32>
    %add3A_686 = arith.addf %sub3A_683, %add3A_685 : vector<512x128xf32>
    %lt3A_687 = arith.cmpf olt, %add3A_686, %select_n3A_677 : vector<512x128xf32>
    %select_n3A_688 = arith.select %lt3A_687, %add3A_686, %select_n3A_677 : vector<512x128xi1>, vector<512x128xf32>
    %jit3A_689 = arith.constant 2.800000e+01 : f32
    %broadcast_in_dim3A_690 = vector.broadcast %jit3A_689 : f32 to vector<512x128xf32>
    %select_n3A_691 = arith.select %lt3A_687, %broadcast_in_dim3A_690, %select_n3A_680 : vector<512x128xi1>, vector<512x128xf32>
    %slice3A_692 = vector.extract_strided_slice %dot_general3A_8 {offsets = [0, 7808], sizes = [512, 128], strides = [1, 1]} : vector<512x8192xf32> to vector<512x128xf32>
    %sub3A_693 = vector.broadcast %broadcast_in_dim3A : vector<512x1xf32> to vector<512x128xf32>
    %sub3A_694 = arith.subf %sub3A_693, %slice3A_692 : vector<512x128xf32>
    %slice3A_695 = vector.extract_strided_slice %get3A_12 {offsets = [0, 7808], sizes = [1, 128], strides = [1, 1]} : vector<1x8192xf32> to vector<1x128xf32>
    %add3A_696 = vector.broadcast %slice3A_695 : vector<1x128xf32> to vector<512x128xf32>
    %add3A_697 = arith.addf %sub3A_694, %add3A_696 : vector<512x128xf32>
    %lt3A_698 = arith.cmpf olt, %add3A_697, %select_n3A_688 : vector<512x128xf32>
    %select_n3A_699 = arith.select %lt3A_698, %add3A_697, %select_n3A_688 : vector<512x128xi1>, vector<512x128xf32>
    %jit3A_700 = arith.constant 2.900000e+01 : f32
    %broadcast_in_dim3A_701 = vector.broadcast %jit3A_700 : f32 to vector<512x128xf32>
    %select_n3A_702 = arith.select %lt3A_698, %broadcast_in_dim3A_701, %select_n3A_691 : vector<512x128xi1>, vector<512x128xf32>
    %slice3A_703 = vector.extract_strided_slice %dot_general3A_8 {offsets = [0, 7936], sizes = [512, 128], strides = [1, 1]} : vector<512x8192xf32> to vector<512x128xf32>
    %sub3A_704 = vector.broadcast %broadcast_in_dim3A : vector<512x1xf32> to vector<512x128xf32>
    %sub3A_705 = arith.subf %sub3A_704, %slice3A_703 : vector<512x128xf32>
    %slice3A_706 = vector.extract_strided_slice %get3A_12 {offsets = [0, 7936], sizes = [1, 128], strides = [1, 1]} : vector<1x8192xf32> to vector<1x128xf32>
    %add3A_707 = vector.broadcast %slice3A_706 : vector<1x128xf32> to vector<512x128xf32>
    %add3A_708 = arith.addf %sub3A_705, %add3A_707 : vector<512x128xf32>
    %lt3A_709 = arith.cmpf olt, %add3A_708, %select_n3A_699 : vector<512x128xf32>
    %select_n3A_710 = arith.select %lt3A_709, %add3A_708, %select_n3A_699 : vector<512x128xi1>, vector<512x128xf32>
    %jit3A_711 = arith.constant 3.000000e+01 : f32
    %broadcast_in_dim3A_712 = vector.broadcast %jit3A_711 : f32 to vector<512x128xf32>
    %select_n3A_713 = arith.select %lt3A_709, %broadcast_in_dim3A_712, %select_n3A_702 : vector<512x128xi1>, vector<512x128xf32>
    %slice3A_714 = vector.extract_strided_slice %dot_general3A_8 {offsets = [0, 8064], sizes = [512, 128], strides = [1, 1]} : vector<512x8192xf32> to vector<512x128xf32>
    %sub3A_715 = vector.broadcast %broadcast_in_dim3A : vector<512x1xf32> to vector<512x128xf32>
    %sub3A_716 = arith.subf %sub3A_715, %slice3A_714 : vector<512x128xf32>
    %slice3A_717 = vector.extract_strided_slice %get3A_12 {offsets = [0, 8064], sizes = [1, 128], strides = [1, 1]} : vector<1x8192xf32> to vector<1x128xf32>
    %add3A_718 = vector.broadcast %slice3A_717 : vector<1x128xf32> to vector<512x128xf32>
    %add3A_719 = arith.addf %sub3A_716, %add3A_718 : vector<512x128xf32>
    %lt3A_720 = arith.cmpf olt, %add3A_719, %select_n3A_710 : vector<512x128xf32>
    %select_n3A_721 = arith.select %lt3A_720, %add3A_719, %select_n3A_710 : vector<512x128xi1>, vector<512x128xf32>
    %jit3A_722 = arith.constant 3.100000e+01 : f32
    %broadcast_in_dim3A_723 = vector.broadcast %jit3A_722 : f32 to vector<512x128xf32>
    %select_n3A_724 = arith.select %lt3A_720, %broadcast_in_dim3A_723, %select_n3A_713 : vector<512x128xi1>, vector<512x128xf32>
    %reduce_min3A_725 = arith.constant dense<0x7F800000> : vector<512xf32>
    %reduce_min3A_726 = vector.multi_reduction <minimumf>, %select_n3A_721, %reduce_min3A_725 [1] : vector<512x128xf32> to vector<512xf32>
    %broadcast_in_dim3A_727 = vector.shape_cast %reduce_min3A_726 : vector<512xf32> to vector<512x1xf32>
    %mul3A_728 = arith.constant 1.280000e+02 : f32
    %mul3A_729 = vector.broadcast %mul3A_728 : f32 to vector<512x128xf32>
    %mul3A_730 = arith.mulf %select_n3A_724, %mul3A_729 : vector<512x128xf32>
    %add3A_731 = vector.broadcast %get3A_15 : vector<1x128xf32> to vector<512x128xf32>
    %add3A_732 = arith.addf %mul3A_730, %add3A_731 : vector<512x128xf32>
    %eq3A_733 = vector.broadcast %broadcast_in_dim3A_727 : vector<512x1xf32> to vector<512x128xf32>
    %eq3A_734 = arith.cmpf oeq, %select_n3A_721, %eq3A_733 : vector<512x128xf32>
    %jit3A_735 = arith.constant 8.192000e+03 : f32
    %broadcast_in_dim3A_736 = vector.broadcast %jit3A_735 : f32 to vector<512x128xf32>
    %select_n3A_737 = arith.select %eq3A_734, %add3A_732, %broadcast_in_dim3A_736 : vector<512x128xi1>, vector<512x128xf32>
    %reduce_min3A_738 = arith.constant dense<0x7F800000> : vector<512xf32>
    %reduce_min3A_739 = vector.multi_reduction <minimumf>, %select_n3A_737, %reduce_min3A_738 [1] : vector<512x128xf32> to vector<512xf32>
    %broadcast_in_dim3A_740 = vector.shape_cast %reduce_min3A_739 : vector<512xf32> to vector<512x1xf32>
    %convert_element_type3A_741 = arith.fptosi %broadcast_in_dim3A_740 : vector<512x1xf32> to vector<512x1xi32>
    %add3A_742 = arith.constant 4096 : i32
    %add3A_743 = vector.broadcast %add3A_742 : i32 to vector<512x1xi32>
    %add3A_744 = arith.addi %convert_element_type3A_741, %add3A_743 : vector<512x1xi32>
    %bitcast_convert_type3A = tpu.bitcast %broadcast_in_dim3A_360 : vector<512x1xf32> -> vector<512x1xi32>
    %add3A_745 = arith.constant 32767 : i32
    %add3A_746 = vector.broadcast %add3A_745 : i32 to vector<512x1xi32>
    %add3A_747 = arith.addi %bitcast_convert_type3A, %add3A_746 : vector<512x1xi32>
    %shift_right_logical3A = arith.constant 16 : i32
    %shift_right_logical3A_748 = vector.broadcast %shift_right_logical3A : i32 to vector<512x1xi32>
    %shift_right_logical3A_749 = arith.shrui %bitcast_convert_type3A, %shift_right_logical3A_748 : vector<512x1xi32>
    %and3A = arith.constant 1 : i32
    %and3A_750 = vector.broadcast %and3A : i32 to vector<512x1xi32>
    %and3A_751 = arith.andi %shift_right_logical3A_749, %and3A_750 : vector<512x1xi32>
    %add3A_752 = arith.addi %add3A_747, %and3A_751 : vector<512x1xi32>
    %and3A_753 = arith.constant -65536 : i32
    %and3A_754 = vector.broadcast %and3A_753 : i32 to vector<512x1xi32>
    %and3A_755 = arith.andi %add3A_752, %and3A_754 : vector<512x1xi32>
    %bitcast_convert_type3A_756 = tpu.bitcast %and3A_755 : vector<512x1xi32> -> vector<512x1xf32>
    %lt3A_757 = arith.cmpf olt, %broadcast_in_dim3A_727, %bitcast_convert_type3A_756 : vector<512x1xf32>
    %select_n3A_758 = arith.select %lt3A_757, %add3A_744, %add3A_375 : vector<512x1xi1>, vector<512x1xi32>
    %swap3A = arith.constant 0 : index
    %swap3A_759 = arith.constant 0 : index
    %swap3A_760 = vector.load %arg6[%swap3A, %swap3A_759] : memref<512x1xi32, #tpu.memory_space<vmem>>, vector<512x1xi32>
    tpu.vector_store %arg6[%swap3A, %swap3A_759], %select_n3A_758 {strides = array<i32>} : memref<512x1xi32, #tpu.memory_space<vmem>>, vector<512x1xi32>,
    return
  }
  func.func @transform_0(%arg0: i32) -> (i32, i32) {
    %c0_i32 = arith.constant 0 : i32
    %c0_i32_0 = arith.constant 0 : i32
    return %arg0, %c0_i32 : i32, i32
  }
  func.func @transform_1(%arg0: i32) -> (i32, i32) {
    %c0_i32 = arith.constant 0 : i32
    %c0_i32_0 = arith.constant 0 : i32
    return %arg0, %c0_i32 : i32, i32
  }
  func.func @transform_2(%arg0: i32) -> (i32, i32) {
    %c0_i32 = arith.constant 0 : i32
    %c0_i32_0 = arith.constant 0 : i32
    %c0_i32_1 = arith.constant 0 : i32
    return %c0_i32, %c0_i32_0 : i32, i32
  }
  func.func @transform_3(%arg0: i32) -> (i32, i32) {
    %c0_i32 = arith.constant 0 : i32
    %c0_i32_0 = arith.constant 0 : i32
    %c0_i32_1 = arith.constant 0 : i32
    return %c0_i32, %c0_i32_0 : i32, i32
  }
  func.func @transform_4(%arg0: i32) -> (i32, i32) {
    %c0_i32 = arith.constant 0 : i32
    %c0_i32_0 = arith.constant 0 : i32
    %c0_i32_1 = arith.constant 0 : i32
    return %c0_i32, %c0_i32_0 : i32, i32
  }
  func.func @transform_5(%arg0: i32) -> (i32, i32) {
    %c0_i32 = arith.constant 0 : i32
    %c0_i32_0 = arith.constant 0 : i32
    return %arg0, %c0_i32 : i32, i32
  }
}

</mosaic_0001>

<sc_bundles>
// kernel: kernel.4.cloned.1.call-start
scs
__scs_entry_jumppad:
0x0: {  	(pc) =	sbr.rel $0x88, $3  }
0x1: {  	(tag) =	ssettag $0x0;
	lr =	simm.s32 $0x1  }
0x2: {  	[smem:$0x3F9F] =	sst lr;
	_ =	strace $0xD0000000  }
0x3: {  	_ = 	snop  }
0x4: {  	_ = 	snop  }
0x5: {  	_ = 	snop  }
0x6: {  	_ = 	snop  }
0x7: {  	_ = 	snop  }
__scs_overlays_trampoline_lowered:
0x8: {  	[smem:$0x3FAE] =	sst s0  }
0x9: {  	[smem:$0x3FAF] =	sst s1  }
0xa: {  	[smem:$0x3FB0] =	sst s2  }
0xb: {  	[smem:$0x3FB1] =	sst s3  }
0xc: {  	[smem:$0x3FB2] =	sst s4  }
0xd: {  	[smem:$0x3FB3] =	sst s5  }
0xe: {  	[smem:$0x3FB4] =	sst s6  }
0xf: {  	[smem:$0x3FB5] =	sst s7  }
0x10: {  	[smem:$0x3FB6] =	sst s8  }
0x11: {  	[smem:$0x3FB7] =	sst s9;
	s0 =	simm.s32 @!p0 $0x0  }
0x12: {  	s1 =	sld [smem:$0x3F9D];
	s0 =	simm.s32 @p0 $0x1  }
0x13: {  	[smem:$0x3FB8] =	sst s0;
	s0 =	simm.s32 @!p1 $0x0  }
0x14: {  	s2 =	sld [smem:$0x3F9C];
	s0 =	simm.s32 @p1 $0x1  }
0x15: {  	[smem:$0x3FB9] =	sst s0;
	s0 =	simm.s32 @!p2 $0x0  }
0x16: {  	s3 =	sld [smem:$0x3FDB];
	s0 =	simm.s32 @p2 $0x1  }
0x17: {  	s4 =	simm.s32 $0x1BF5;
	[smem:$0x3FBB] =	sst s0  }
0x18: {  	s0 =	sld [smem:$0x3F9E];
	_ =	swait.ge [sflag:s4], $0x0  }
0x19: {  	s7 =	sld [smem:$0x3F9F]  }
0x1a: {  	s8 =	sadd.s32 $0xFFFFE003, lr  }
0x1b: {  	s9 =	sadd.s32 $0xFFFFFEF7, lr;
	s5 =	simm.s32 $0xFFFFFFFF;
	p2 =	slt.u32 s8, $0xFFFFF086  }
0x1c: {  	p1 =	slt.u32 s9, $0xF7A;
	s5 =	simm.s32 @!p2 $0x0  }
0x1d: {  	s5 =	simm.s32 @p1 $0x1;
	p0 =	seq.s32 s7, s2  }
0x1e: {  	s7 =	smul.u32 @!p0 $0xF7A, s2;
	p2 =	seq.s32 @!p0 s5, $0x0  }
0x1f: {  	s9 =	smul.u32 $0xF7A, s1;
	s8 =	simm.s32 @!p0 $0x1BF5;
	p2 =	por !p2, p0  }
0x20: {  	[sflag:s8] =	ssyncset.s32 @!p0 $0xFFFFF086;
	s6 =	sadd.s32 @!p0 s3, s7;
	s7 =	simm.s32 @!p0 $0x108  }
0x21: {  	s3 =	sadd.s32 s3, s9;
	s6 =	sadd.s32 @!p0 $0x88, s6;
	s7 =	simm.s32 @p2 $0x1082  }
0x22: {  	[simem:s7], [sflag:s8] =	dma.local @!p0 [hbm:s6], $0xF7A  }
0x23: {  	s9 =	sor.u32 $0xD0000000, s2;
	s6 =	simm.s32 $0x108;
	_ =	swait.ge @!p0 [sflag:s8], $0x0  }
0x24: {  	s3 =	sadd.s32 $0x88, s3;
	s6 =	simm.s32 @!p1 $0x1082;
	[sflag:s4] =	ssyncset.s32 $0xFFFFF086  }
0x25: {  	[simem:s6], [sflag:s4] =	dma.local [hbm:s3], $0xF7A  }
0x26: {  	[smem:$0x3F9F] =	sst s1;
	(tag) =	ssettag s2;
	_ =	strace s9  }
0x27: {  	s1 =	sld [smem:$0x3FAF]  }
0x28: {  	s2 =	sld [smem:$0x3FB0]  }
0x29: {  	s4 =	sld [smem:$0x3FB2]  }
0x2a: {  	p0 =	seq.s32 s5, $0x0;
	s5 =	sld [smem:$0x3FB3]  }
0x2b: {  	s6 =	sld [smem:$0x3FB4]  }
0x2c: {  	s7 =	sld [smem:$0x3FB5]  }
0x2d: {  	s3 =	simm.s32 $0x108;
	s8 =	sld [smem:$0x3FB6]  }
0x2e: {  	s3 =	simm.s32 @!p0 $0x1082;
	s9 =	sld [smem:$0x3FB7]  }
0x2f: {  	lr =	sadd.s32 s0, s3;
	s0 =	sld [smem:$0x3FAE]  }
0x30: {  	s3 =	sld [smem:$0x3FB1]  }
0x31: {  	[smem:$0x3FBA] =	sst s10  }
0x32: {  	s10 =	sld [smem:$0x3FB8];
	_ =	sdelay $0x3  }
0x33: {  	p0 =	seq.s32 s10, $0x1;
	s10 =	sld [smem:$0x3FBA];
	_ =	sdelay $0x3  }
0x34: {  	[smem:$0x3FBA] =	sst s10  }
0x35: {  	s10 =	sld [smem:$0x3FB9];
	_ =	sdelay $0x3  }
0x36: {  	p1 =	seq.s32 s10, $0x1;
	s10 =	sld [smem:$0x3FBA];
	_ =	sdelay $0x3  }
0x37: {  	[smem:$0x3FBA] =	sst s10  }
0x38: {  	s10 =	sld [smem:$0x3FBB]  }
0x39: {  	_ = 	snop;
	(pc) =	sbr.ind lr, $3  }
0x3a: {  	_ = 	snop  }
0x3b: {  	_ = 	snop  }
0x3c: {  	p2 =	seq.s32 s10, $0x1;
	s10 =	sld [smem:$0x3FBA]  }
0x3d: {  	_ =	shalt  }
0x3e: {  	_ =	shalt  }
0x3f: {  	_ =	shalt  }
0x40: {  	_ =	shalt  }
0x41: {  	_ =	shalt  }
0x42: {  	_ =	shalt  }
0x43: {  	_ =	shalt  }
0x44: {  	_ =	shalt  }
0x45: {  	_ =	shalt  }
0x46: {  	_ =	shalt  }
0x47: {  	_ =	shalt  }
0x48: {  	_ =	shalt  }
0x49: {  	_ =	shalt  }
0x4a: {  	_ =	shalt  }
0x4b: {  	_ =	shalt  }
0x4c: {  	_ =	shalt  }
0x4d: {  	_ =	shalt  }
0x4e: {  	_ =	shalt  }
0x4f: {  	_ =	shalt  }
0x50: {  	_ =	shalt  }
0x51: {  	_ =	shalt  }
0x52: {  	_ =	shalt  }
0x53: {  	_ =	shalt  }
0x54: {  	_ =	shalt  }
0x55: {  	_ =	shalt  }
0x56: {  	_ =	shalt  }
0x57: {  	_ =	shalt  }
0x58: {  	_ =	shalt  }
0x59: {  	_ =	shalt  }
0x5a: {  	_ =	shalt  }
0x5b: {  	_ =	shalt  }
0x5c: {  	_ =	shalt  }
0x5d: {  	_ =	shalt  }
0x5e: {  	_ =	shalt  }
0x5f: {  	_ =	shalt  }
0x60: {  	_ =	shalt  }
0x61: {  	_ =	shalt  }
0x62: {  	_ =	shalt  }
0x63: {  	_ =	shalt  }
0x64: {  	_ =	shalt  }
0x65: {  	_ =	shalt  }
0x66: {  	_ =	shalt  }
0x67: {  	_ =	shalt  }
0x68: {  	_ =	shalt  }
0x69: {  	_ =	shalt  }
0x6a: {  	_ =	shalt  }
0x6b: {  	_ =	shalt  }
0x6c: {  	_ =	shalt  }
0x6d: {  	_ =	shalt  }
0x6e: {  	_ =	shalt  }
0x6f: {  	_ =	shalt  }
0x70: {  	_ =	shalt  }
0x71: {  	_ =	shalt  }
0x72: {  	_ =	shalt  }
0x73: {  	_ =	shalt  }
0x74: {  	_ =	shalt  }
0x75: {  	_ =	shalt  }
0x76: {  	_ =	shalt  }
0x77: {  	_ =	shalt  }
0x78: {  	_ =	shalt  }
0x79: {  	_ =	shalt  }
0x7a: {  	_ =	shalt  }
0x7b: {  	_ =	shalt  }
0x7c: {  	_ =	shalt  }
0x7d: {  	_ =	shalt  }
0x7e: {  	_ =	shalt  }
0x7f: {  	_ =	shalt  }
0x80: {  	_ =	shalt  }
0x81: {  	_ =	shalt  }
0x82: {  	_ =	shalt  }
0x83: {  	_ =	shalt  }
0x84: {  	_ =	shalt  }
0x85: {  	_ =	shalt  }
0x86: {  	_ =	shalt  }
0x87: {  	_ =	shalt  }
.Lfunc_end0:
.L_simem_size_0:
called_computation_lowered:
.L_overlay_start_0:
0x88: {  	s2 =	sld [smem:$0x3FD9]  }
0x89: {  	s3 =	sld [smem:$0x3FFE];
	_ =	sdelay $0x1  }
0x8a: {  	s1 =	srdreg.scid  }
0x8b: {  	s0 =	sand.u32 $0x1, s1  }
0x8c: {  	s14 =	sshll.u32 s0, $0xA;
	s2 =	sadd.s32 s3, s2  }
0x8d: {  	s2 =	sadd.s32 s2, s14  }
0x8e: {  	[smem:$0x3FC6] =	sst s2  }
0x8f: {  	_ = 	snop  }
0x90: {  	s2 =	sld [smem:$0x3FD0];
	_ =	sdelay $0x2  }
0x91: {  	s15 =	simm.s32 $0xA;
	s4 =	simm.s32 $0x10  }
0x92: {  	[smem:s4], [sflag:s15] =	dma.local [hbm:s2], $0x1  }
0x93: {  	_ =	swait.eq [sflag:s15], $0x1  }
0x94: {  	[sflag:s15] =	ssyncset.done $0x0  }
0x95: {  	[sflag:s15] =	ssyncadd.s32 $0xFFFFFFFF  }
0x96: {  	s16 =	sld [smem:$0x10];
	(tm) =	ssettm $0x1  }
0x97: {  	s17 =	sld [smem:$0x3FFB];
	_ =	sdelay $0x3  }
0x98: {  	_ =	strace s17  }
0x99: {  	s3 =	sld [smem:$0x3FFC];
	_ =	sdelay $0x3  }
0x9a: {  	_ =	strace s3  }
0x9b: {  	s3 =	sld [smem:$0x3FFD];
	_ =	sdelay $0x3  }
0x9c: {  	_ =	strace s3  }
0x9d: {  	_ =	strace $0x8FFFFFFF  }
0x9e: {  	s18 =	sld [smem:$0x3FDB];
	_ =	sdelay $0x1  }
0x9f: {  	s19 =	simm.s32 $_scs_section_size  }
0xa0: {  	s5 =	simm.s32 $_size__tile_overlayer_lowered;
	s6 =	simm.s32 $_tile_overlayer_lowered  }
0xa1: {  	s22 =	simm.s32 $0x1BFF;
	s21 =	sshll.u32 s6, $0x1;
	s3 =	sadd.s32 s19, s18  }
0xa2: {  	s7 =	simm.s32 $0x0;
	s20 =	sshll.u32 s5, $0x1;
	s5 =	sadd.s32 s21, s3  }
0xa3: {  	[timem:s7], [sflag:s22] =	dma.local [hbm:s5], s20  }
0xa4: {  	_ =	swait.ge [sflag:s22], s20  }
0xa5: {  	s4 =	ssub.s32 $0x0, s20;
	[sflag:s22] =	ssyncset.done $0x0  }
0xa6: {  	[sflag:s22] =	ssyncadd.s32 s4;
	_ =	sdelay $0x1  }
0xa7: {  	s23 =	simm.s32 $0x1B8B  }
0xa8: {  	_ =	swait.ge [sflag:s23], $0x1  }
0xa9: {  	[sflag:s23] =	ssyncset.done $0x0  }
0xaa: {  	s25 =	simm.s32 $0x1B8E;
	s24 =	sld [smem:$0x3FFE];
	[sflag:s23] =	ssyncadd.s32 $0xFFFFFFFF  }
0xab: {  	s26 =	simm.s32 $execute0_lowered;
	[smem:$0x3FD2] =	sst s25  }
0xac: {  	s5 =	sshll.u32 s26, $0x1;
	_ =	strace $0x80000046;
	[dreg:$0x1] =	wrdreg $0xFFFFFFFF  }
0xad: {  	s28 =	simm.s32 $_size_execute0_lowered;
	s3 =	sadd.s32 s3, s5;
	[dreg:$0x0] =	wrdreg $0x0  }
0xae: {  	s5 =	sshll.u32 s28, $0x1;
	[dreg:$0x2] =	wrdreg s3  }
0xaf: {  	[dreg:$0x3] =	wrdreg s5  }
0xb0: {  	[dreg:$0x4] =	wrdreg $0xC0  }
0xb1: {  	_ =	task [dreg:s7], $0x5FFFF  }
0xb2: {  	[dreg:$0x1] =	wrdreg $0xFFFFFFFF  }
0xb3: {  	[dreg:$0x0] =	wrdreg $0x60  }
0xb4: {  	[dreg:$0x2] =	wrdreg s16  }
0xb5: {  	[dreg:$0x3] =	wrdreg s24  }
0xb6: {  	[dreg:$0x4] =	wrdreg $0x9  }
0xb7: {  	_ =	task.clear_ibuf [dreg:s7], $0x5FFFF;
	_ =	strace $0x90000046  }
0xb8: {  	s29 =	simm.s32 $0x9;
	_ =	strace $0x80000048  }
0xb9: {  	_ =	swait.ge [sflag:s29], $0x1  }
0xba: {  	[sflag:s29] =	ssyncadd.s32 $0xFFFFFFFF  }
0xbb: {  	_ =	strace $0x90000048  }
0xbc: {  	_ =	sfence  }
0xbd: {  	s30 =	sld [smem:$0x0];
	_ =	sdelay $0x2  }
0xbe: {  	s31 =	sshll.u32 s1, $0xD;
	s1 =	sshrl.u32 s1, $0x2  }
0xbf: {  	s3 =	sand.u32 $0x4000, s31;
	s1 =	sadd.s32 s1, s30  }
0xc0: {  	s0 =	sor.u32 s3, s0;
	s1 =	sshll.u32 s1, $0x11  }
0xc1: {  	s0 =	sor.u32 s1, s0  }
0xc2: {  	s0 =	sadd.s32 $0x8F2B, s0  }
0xc3: {  	[sflag:s0] =	ssyncadd.remote.s32 $0x1  }
0xc4: {  	_ =	sfence.sel $0xFFFF  }
0xc5: {  	[dreg:$0x0] =	wrdreg $0xFFFFFFFF;
	(pc) =	sbr.abs _section_cstart, $3  }
0xc6: {  	[dreg:$0x1] =	wrdreg $0xFFFFFFFF  }
0xc7: {  	_ =	task.clear_ibuf [dreg:s7], $0x2FFFF;
	_ =	strace $0x9FFFFFFF  }
0xc8: {  	(tm) =	ssettm $0x7FFFFFFF  }
0xc9: {  	_ =	shalt  }
tec
execute0_lowered:
.L_overlay_start_1:
0x0: {  	(tag) =	ssettag $0x1  }
0x1: {  	s1 =	srdreg.scid  }
0x2: {  	s0 =	stileid.u32;
	s6 =	sand.u32 $0x1, s1  }
0x3: {  	s2 =	rddreg [dreg:$0x0];
	s30 =	sshll.u32 s0, $0xA;
	s3 =	sshll.u32 s6, $0x9  }
0x4: {  	s8 =	rddreg [dreg:$0x1];
	s7 =	simm.s32 $0x1;
	s9 =	sor.u32 s3, s30  }
0x5: {  	s1 =	rddreg [dreg:$0x2];
	s3 =	simm.s32 $0x0;
	s4 =	sshrl.u32 s9, $0x3  }
0x6: {  	s10 =	ssub.s32 $0x2, s6;
	[smem:$0x7FF] =	sst s3;
	s4 =	sadd.s32 s4, s8  }
0x7: {  	_ =	strace $0x80000047;
	s5 =	sadd.s32 $0x200, s4;
	s4 =	simm.s32 $0x2  }
0x8: {  	[tilespmem:s3], [sflag:$0x2] =	stream.linear.gather [hbm4b:s5+s3], $0x200, $0x38;
	[tilespmem:$0x10200] =	vst v63  }
0x9: {  	s6 =	simm.s32 $0x200;
	s11 =	sshrl.u32 s10, $0x1;
	_ =	swait.ge [sflag:s4], $0x200  }
0xa: {  	s9 =	sshll.u32 s9, $0x4;
	s31 =	ssub.s32 s10, s11;
	[sflag:s4] =	ssyncset.done $0x0  }
0xb: {  	s8 =	sadd.s32 s9, s8;
	s9 =	smax.u32 s31, $0x1;
	[sflag:s4] =	ssyncadd.s32 $0xFFFFFE00  }
0xc: {  	[tilespmem:s6], [sflag:$0x1] =	stream.indirect.gather [hbm4b:s2+s6], $0x80, s3, s6, $0xb8;
	[tilespmem:$0x10200] =	vst v63  }
0xd: {  	p0 =	sne.s32 s9, $0x1;
	_ =	swait.ge [sflag:s7], $0x10000  }
.Ltmp0:
0xe: {  	[sflag:s7] =	ssyncset.done $0x0;
	(pc) =	sbr.rel @!p0 .LBB2_2-.Ltmp0, $4  }
0xf: {  	s8 =	sadd.s32 $0xA00, s8;
	[sflag:s7] =	ssyncadd.s32 $0xFFFF0000  }
0x10: {  	[hbm4b:s8+s3] =	stream.linear.scatter [tilespmem:s6], [sflag:$0x2], $0x10000, $0x38;
	[tilespmem:$0x10200] =	vst v63  }
0x11: {  	_ =	swait.ge [sflag:s4], $0x10000  }
0x12: {  	s9 =	sadd.s32 $0xFFFFFFFF, s9;
	[sflag:s4] =	ssyncset.done $0x0  }
.LBB2_1:
0x13: {  	p0 =	sne.s32 s9, $0x1;
	s9 =	sadd.s32 $0xFFFFFFFF, s9;
	[sflag:s4] =	ssyncadd.s32 $0xFFFF0000  }
0x14: {  	[tilespmem:s3], [sflag:$0x2] =	stream.linear.gather [hbm4b:s5+s3], $0x200, $0x38;
	[tilespmem:$0x10200] =	vst v63  }
0x15: {  	_ =	swait.ge [sflag:s4], $0x200  }
0x16: {  	[sflag:s4] =	ssyncset.done $0x0  }
0x17: {  	[sflag:s4] =	ssyncadd.s32 $0xFFFFFE00  }
0x18: {  	[tilespmem:s6], [sflag:$0x1] =	stream.indirect.gather [hbm4b:s2+s6], $0x80, s3, s6, $0xb8;
	[tilespmem:$0x10200] =	vst v63  }
0x19: {  	_ =	swait.ge [sflag:s7], $0x10000  }
.Ltmp1:
0x1a: {  	[sflag:s7] =	ssyncset.done $0x0;
	(pc) =	sbr.rel @p0 .LBB2_1-.Ltmp1, $4  }
0x1b: {  	[sflag:s7] =	ssyncadd.s32 $0xFFFF0000  }
0x1c: {  	[hbm4b:s8+s3] =	stream.linear.scatter [tilespmem:s6], [sflag:$0x2], $0x10000, $0x38;
	[tilespmem:$0x10200] =	vst v63  }
0x1d: {  	_ =	swait.ge [sflag:s4], $0x10000  }
0x1e: {  	[sflag:s4] =	ssyncset.done $0x0  }
.LBB2_2:
0x1f: {  	[sflag:s4] =	ssyncadd.s32 $0xFFFF0000  }
0x20: {  	_ =	sfence.sel $0x180000  }
0x21: {  	[bflag:$0x0] =	sbarrier.arrive $0xFFFF  }
0x22: {  	p0 =	sne.s32 s0, $0x0;
	_ =	strace $0x90000047  }
0x23: {  	s0 =	sadd.s32 @!p0 $0x100000, s1;
	[bflag:$0x2] =	sbarrier.arrive $0xFFFF  }
0x24: {  	[sflag:s0] =	ssyncadd.tile.s32 @!p0 $0x1;
	_ =	shalt  }
.Lfunc_end2:
_tile_overlayer_lowered:
.L_overlay_start_2:
0x25: {  	(tag) =	ssettag $0x2  }
0x26: {  	s0 =	rddreg [dreg:$0x0];
	s2 =	stileid.u32  }
0x27: {  	s1 =	rddreg [dreg:$0x1];
	p0 =	sne.s32 s2, $0x0  }
0x28: {  	s3 =	rddreg [dreg:$0x2];
	[bflag:$0x3] =	sbarrier.arrive $0xFFFF;
	s2 =	simm.s32 @!p0 $0x1C02  }
0x29: {  	[timem:s3], [sflag:s2] =	dma.local @!p0 [hbm:s0], s1  }
0x2a: {  	s0 =	simm.s32 @!p0 $0x2  }
0x2b: {  	_ =	swait.ge @!p0 [sflag:s0], s1  }
0x2c: {  	s1 =	ssub.s32 @!p0 $0x0, s1;
	[sflag:s0] =	ssyncset.done @!p0 $0x0  }
0x2d: {  	[sflag:s0] =	ssyncadd.s32 @!p0 s1  }
0x2e: {  	[bflag:$0x3] =	sbarrier.arrive $0xFFFF  }
0x2f: {  	_ =	shalt  }

</sc_bundles>
